<compile_context>
chip_gen: v7x
topology: tpu7x:2x2x1
jax: 0.10.2.dev20260603
libtpu: 0.0.44.dev20260713+nightly
codegen_flags: <defaults>
</compile_context>

<pallas_src>
import dataclasses
import functools
import math

import jax
import jax.numpy as jnp
from jax import lax
from jax.experimental import pallas as pl
from jax.experimental.pallas import tpu as pltpu
from jax.experimental.pallas import tpu_sc as plsc

N_IMG = 4
A, H, W = 3, 52, 52
NA = A * H * W
NPAD = 8192
PRE = 6000
SPAD = 6016
POST = 1000
OPAD = 1024
NMS_TH = 0.45
IMG_SZ = 416.0
BBOX_CLIP = math.log(1000.0 / 16)
T = 128
NT = SPAD // T
LN = 16
NUNIT = N_IMG * 5


def _sc_compiler_params():
    cp = pltpu.CompilerParams()
    if "needs_layout_passes" in pltpu.CompilerParams.__dataclass_fields__:
        cp = dataclasses.replace(cp, needs_layout_passes=False)
    return cp



def _stage_a_body(obj_ref, reg_ref, anc_ref, planes_ref, rank_ref, score_ref):
    score = jax.nn.sigmoid(obj_ref[...])
    score_ref[...] = score

    ax1 = anc_ref[:, 0, :]
    ay1 = anc_ref[:, 1, :]
    ax2 = anc_ref[:, 2, :]
    ay2 = anc_ref[:, 3, :]
    dx = reg_ref[:, 0, :]
    dy = reg_ref[:, 1, :]
    dw = reg_ref[:, 2, :]
    dh = reg_ref[:, 3, :]
    widths = ax2 - ax1 + 1.0
    heights = ay2 - ay1 + 1.0
    cx = ax1 + 0.5 * widths
    cy = ay1 + 0.5 * heights
    dw = jnp.minimum(dw, BBOX_CLIP)
    dh = jnp.minimum(dh, BBOX_CLIP)
    pcx = dx * widths + cx
    pcy = dy * heights + cy
    pw = jnp.exp(dw) * widths
    ph = jnp.exp(dh) * heights
    planes_ref[:, 0, :] = jnp.clip(pcx - 0.5 * (pw - 1), 0.0, IMG_SZ - 1)
    planes_ref[:, 1, :] = jnp.clip(pcy - 0.5 * (ph - 1), 0.0, IMG_SZ - 1)
    planes_ref[:, 2, :] = jnp.clip(pcx + 0.5 * (pw - 1), 0.0, IMG_SZ - 1)
    planes_ref[:, 3, :] = jnp.clip(pcy + 0.5 * (ph - 1), 0.0, IMG_SZ - 1)
    planes_ref[:, 4, :] = score

    EBS, JBS = 128, 1024
    rank_ref[...] = jnp.zeros((N_IMG, NPAD), jnp.int32)

    def jb_body(j, _):
        sjb = jnp.broadcast_to(score_ref[:, pl.ds(j * JBS, JBS)][:, :, None],
                               (N_IMG, JBS, EBS))
        idjb = jnp.broadcast_to(
            lax.broadcasted_iota(jnp.int32, (1, JBS, 1), 1) + j * JBS,
            (1, JBS, EBS))

        def eb_body(e, _):
            se = score_ref[:, pl.ds(e * EBS, EBS)][:, None, :]
            ide = lax.broadcasted_iota(jnp.int32, (1, 1, EBS), 2) + e * EBS
            cmp = (sjb > se) | ((sjb == se) & (idjb < ide))
            rank_ref[:, pl.ds(e * EBS, EBS)] += jnp.sum(
                cmp.astype(jnp.int32), axis=1)
            return 0

        lax.fori_loop(0, NPAD // EBS, eb_body, 0)
        return 0

    lax.fori_loop(0, NPAD // JBS, jb_body, 0)


def _stage_a(obj, reg, anc):
    return pl.pallas_call(
        _stage_a_body,
        out_shape=[
            jax.ShapeDtypeStruct((N_IMG, 5, NPAD), jnp.float32),
            jax.ShapeDtypeStruct((N_IMG, NPAD), jnp.int32),
        ],
        scratch_shapes=[pltpu.VMEM((N_IMG, NPAD), jnp.float32)],
    )(obj, reg, anc)



def _stage_b(planes20, rank):
    mesh = plsc.VectorSubcoreMesh(core_axis_name="c", subcore_axis_name="s")

    @functools.partial(
        pl.kernel, mesh=mesh,
        out_type=jax.ShapeDtypeStruct((NUNIT, SPAD), jnp.float32),
        scratch_types=[
            pltpu.VMEM((NPAD,), jnp.float32),
            pltpu.VMEM((NPAD,), jnp.int32),
            pltpu.VMEM((SPAD,), jnp.float32),
        ],
        compiler_params=_sc_compiler_params(),
    )
    def sb_kernel(planes_hbm, rank_hbm, out_hbm, vals_v, rank_v, out_v):
        wid = lax.axis_index("c") * 16 + lax.axis_index("s")

        @pl.when(wid < NUNIT)
        def _():
            pltpu.sync_copy(planes_hbm.at[wid], vals_v)
            pltpu.sync_copy(rank_hbm.at[wid // 5], rank_v)

            @pl.loop(0, NPAD // LN)
            def _(i):
                r = rank_v[pl.ds(i * LN, LN)]
                v = vals_v[pl.ds(i * LN, LN)]
                msk = r < SPAD
                rc = jnp.minimum(r, SPAD - 1)
                plsc.store_scatter(out_v, [rc], v, mask=msk)

            pltpu.sync_copy(out_v, out_hbm.at[wid])

    return sb_kernel(planes20, rank)



def _iou_block(x1a, y1a, x2a, y2a, aa, x1b, y1b, x2b, y2b, ab):
    ltx = jnp.maximum(x1a[:, :, None], x1b[:, None, :])
    lty = jnp.maximum(y1a[:, :, None], y1b[:, None, :])
    rbx = jnp.minimum(x2a[:, :, None], x2b[:, None, :])
    rby = jnp.minimum(y2a[:, :, None], y2b[:, None, :])
    wx = jnp.maximum(rbx - ltx + 1.0, 0.0)
    wy = jnp.maximum(rby - lty + 1.0, 0.0)
    inter = wx * wy
    return inter / ((aa[:, :, None] + ab[:, None, :]) - inter)


def _outer(u, v):
    return lax.dot_general(u.astype(jnp.bfloat16), v.astype(jnp.bfloat16),
                           (((1,), (1,)), ((0,), (0,))),
                           preferred_element_type=jnp.float32)


def _stage_c_body(srt_ref, keep_ref, crank_ref, alive_ref, area_ref, m_ref,
                  eff_ref):
    SENT = 2.0e9
    x1 = srt_ref[:, 0, :]
    y1 = srt_ref[:, 1, :]
    x2 = srt_ref[:, 2, :]
    y2 = srt_ref[:, 3, :]
    area_ref[...] = (x2 - x1 + 1.0) * (y2 - y1 + 1.0)
    pos = lax.broadcasted_iota(jnp.int32, (N_IMG, SPAD), 1)
    alive_ref[...] = (pos < PRE).astype(jnp.float32)

    ones_l = jnp.ones((N_IMG, 1, T), jnp.float32)

    def tile_body(t, _):
        tb = t * T
        xt1 = srt_ref[:, 0, pl.ds(tb, T)]
        yt1 = srt_ref[:, 1, pl.ds(tb, T)]
        xt2 = srt_ref[:, 2, pl.ds(tb, T)]
        yt2 = srt_ref[:, 3, pl.ds(tb, T)]
        at = area_ref[:, pl.ds(tb, T)]
        sh = (N_IMG, T, T)
        xt1b = jnp.broadcast_to(xt1[:, :, None], sh)
        yt1b = jnp.broadcast_to(yt1[:, :, None], sh)
        xt2b = jnp.broadcast_to(xt2[:, :, None], sh)
        yt2b = jnp.broadcast_to(yt2[:, :, None], sh)
        atb = jnp.broadcast_to(at[:, :, None], sh)

        def pref_body(s, acc):
            sb = s * T
            xp1 = eff_ref[:, 0, pl.ds(sb, T)][:, None, :]
            yp1 = eff_ref[:, 1, pl.ds(sb, T)][:, None, :]
            xp2 = eff_ref[:, 2, pl.ds(sb, T)][:, None, :]
            yp2 = eff_ref[:, 3, pl.ds(sb, T)][:, None, :]
            ap = eff_ref[:, 4, pl.ds(sb, T)][:, None, :]
            wx = jnp.maximum(jnp.minimum(xt2b, xp2) - jnp.maximum(xt1b, xp1)
                             + 1.0, 0.0)
            wy = jnp.maximum(jnp.minimum(yt2b, yp2) - jnp.maximum(yt1b, yp1)
                             + 1.0, 0.0)
            inter = wx * wy
            iou = inter / ((atb + ap) - inter)
            return jnp.maximum(acc, iou)

        acc = lax.fori_loop(0, t, pref_body, jnp.zeros(sh, jnp.float32))
        dead = (jnp.max(acc, axis=2) > NMS_TH).astype(jnp.float32)
        alt0 = alive_ref[:, pl.ds(tb, T)] * (1.0 - dead)

        iou_tt = _iou_block(xt1, yt1, xt2, yt2, at, xt1, yt1, xt2, yt2, at)
        tri = (lax.broadcasted_iota(jnp.int32, (1, T, T), 2)
               > lax.broadcasted_iota(jnp.int32, (1, T, T), 1))
        m_ref[...] = (((iou_tt > NMS_TH) & tri).astype(jnp.float32)
                      * _outer(alt0[:, None, :], ones_l))

        s0 = jnp.sum(m_ref[...])

        def fix_cond(c):
            return c[1] < c[0]

        def fix_body(c):
            mat = m_ref[...]
            inc = jnp.max(mat, axis=1, keepdims=True)
            can = (inc == 0.0).astype(jnp.float32)
            can_full = _outer(can, ones_l)
            defsup = jnp.max(mat * can_full, axis=1, keepdims=True)
            kill_full = _outer(defsup, ones_l)
            new = mat * (1.0 - kill_full)
            m_ref[...] = new
            return (c[1], jnp.sum(new))

        lax.while_loop(fix_cond, fix_body, (s0 + 1.0, s0))
        suppressed = jnp.max(m_ref[...], axis=1)
        alt = alt0 * (1.0 - suppressed)
        alive_ref[:, pl.ds(tb, T)] = alt

        live = alt > 0
        eff_ref[:, 0, pl.ds(tb, T)] = jnp.where(live, xt1, SENT)
        eff_ref[:, 1, pl.ds(tb, T)] = jnp.where(live, yt1, SENT)
        eff_ref[:, 2, pl.ds(tb, T)] = jnp.where(live, xt2, SENT)
        eff_ref[:, 3, pl.ds(tb, T)] = jnp.where(live, yt2, SENT)
        eff_ref[:, 4, pl.ds(tb, T)] = jnp.where(live, at, 1.0)
        return 0

    lax.fori_loop(0, NT, tile_body, 0)

    tri_cs = (lax.broadcasted_iota(jnp.int32, (T, T), 0)
              <= lax.broadcasted_iota(jnp.int32, (T, T), 1)).astype(jnp.bfloat16)

    def csum_body(t, off):
        k = alive_ref[:, pl.ds(t * T, T)]
        cs = lax.dot_general(k.astype(jnp.bfloat16), tri_cs,
                             (((1,), (0,)), ((), ())),
                             preferred_element_type=jnp.float32)
        crank_ref[:, pl.ds(t * T, T)] = (cs + off - 1.0).astype(jnp.int32)
        keep_ref[:, pl.ds(t * T, T)] = k.astype(jnp.int32)
        return off + jnp.sum(k, axis=1, keepdims=True)

    lax.fori_loop(0, NT, csum_body, jnp.zeros((N_IMG, 1), jnp.float32))


def _stage_c(srt):
    return pl.pallas_call(
        _stage_c_body,
        out_shape=[
            jax.ShapeDtypeStruct((N_IMG, SPAD), jnp.int32),
            jax.ShapeDtypeStruct((N_IMG, SPAD), jnp.int32),
        ],
        scratch_shapes=[
            pltpu.VMEM((N_IMG, SPAD), jnp.float32),
            pltpu.VMEM((N_IMG, SPAD), jnp.float32),
            pltpu.VMEM((N_IMG, T, T), jnp.float32),
            pltpu.VMEM((N_IMG, 5, SPAD), jnp.float32),
        ],
    )(srt)



def _stage_d(srt20, keep, crank):
    mesh = plsc.VectorSubcoreMesh(core_axis_name="c", subcore_axis_name="s")

    @functools.partial(
        pl.kernel, mesh=mesh,
        out_type=jax.ShapeDtypeStruct((NUNIT, OPAD), jnp.float32),
        scratch_types=[
            pltpu.VMEM((SPAD,), jnp.float32),
            pltpu.VMEM((SPAD,), jnp.int32),
            pltpu.VMEM((SPAD,), jnp.int32),
            pltpu.VMEM((OPAD,), jnp.float32),
        ],
        compiler_params=_sc_compiler_params(),
    )
    def sd_kernel(srt_hbm, keep_hbm, crank_hbm, out_hbm,
                  vals_v, keep_v, crank_v, out_v):
        wid = lax.axis_index("c") * 16 + lax.axis_index("s")

        @pl.when(wid < NUNIT)
        def _():
            pltpu.sync_copy(srt_hbm.at[wid], vals_v)
            pltpu.sync_copy(keep_hbm.at[wid // 5], keep_v)
            pltpu.sync_copy(crank_hbm.at[wid // 5], crank_v)

            @pl.loop(0, OPAD // LN)
            def _(i):
                out_v[pl.ds(i * LN, LN)] = jnp.zeros((LN,), jnp.float32)

            @pl.loop(0, SPAD // LN)
            def _(i):
                k = keep_v[pl.ds(i * LN, LN)]
                c = crank_v[pl.ds(i * LN, LN)]
                v = vals_v[pl.ds(i * LN, LN)]
                msk = (k > 0) & (c < POST)
                cc = jnp.minimum(jnp.maximum(c, 0), OPAD - 1)
                plsc.store_scatter(out_v, [cc], v, mask=msk)

            pltpu.sync_copy(out_v, out_hbm.at[wid])

    return sd_kernel(srt20, keep, crank)



def kernel(objectness, box_regression, cls, anchors):
    del cls
    n = objectness.shape[0]

    obj = jnp.transpose(objectness, (0, 2, 3, 1)).reshape(n, NA)
    obj = jnp.pad(obj, ((0, 0), (0, NPAD - NA)), constant_values=-1e4)
    reg = box_regression.reshape(n, A, 4, H * W)
    reg = jnp.transpose(reg, (0, 2, 3, 1)).reshape(n, 4, NA)
    reg = jnp.pad(reg, ((0, 0), (0, 0), (0, NPAD - NA)))
    anc = jnp.transpose(anchors.reshape(n, NA, 4), (0, 2, 1))
    anc = jnp.pad(anc, ((0, 0), (0, 0), (0, NPAD - NA)))

    planes, rank = _stage_a(obj, reg, anc)
    srt20 = _stage_b(planes.reshape(NUNIT, NPAD), rank)
    keep, crank = _stage_c(srt20.reshape(N_IMG, 5, SPAD))
    out20 = _stage_d(srt20, keep, crank)
    out = out20.reshape(n, 5, OPAD)[:, :, :POST]
    return jnp.transpose(out, (0, 2, 1))

# --- scband reference (transcript-rebuilt; emitter-appended) ---
"""Pipeline reference for scband-yolov3-post-processor-22179211117188 (READ-ONLY COPY).

The authoritative reference and input builder live on the scoring server;
editing this copy changes nothing except your own understanding.
"""

import jax, jax.numpy as jnp
import numpy as np
import math

N, A, C, H, W = 4, 3, 80, 52, 52
PRE_NMS_TOP_N = 6000
POST_NMS_TOP_N = 1000
NMS_THRESH = 0.45
MIN_SIZE = 0
IMG = 416.0


def setup_inputs(seed: int = 0):
    key = jax.random.key(seed)
    k1, k2, k3, k4, k5 = jax.random.split(key, 5)
    objectness = jax.random.normal(k1, (N, A, H, W), dtype=jnp.float32)
    box_regression = jax.random.normal(k2, (N, A * 4, H, W), dtype=jnp.float32) * 0.1
    cls = jax.random.normal(k3, (N, A * C, H, W), dtype=jnp.float32)
    ctr = jax.random.uniform(k4, (N * A * H * W, 2), minval=0.0, maxval=IMG)
    wh = jax.random.uniform(k5, (N * A * H * W, 2), minval=16.0, maxval=128.0)
    anchors = jnp.concatenate([ctr - 0.5 * wh, ctr + 0.5 * wh], axis=1).astype(jnp.float32)
    return {"objectness": objectness, "box_regression": box_regression, "cls": cls, "anchors": anchors}


def permute_and_flatten(layer, n, a, c, h, w):
    layer = layer.reshape(n, a, c, h, w)
    layer = jnp.transpose(layer, (0, 3, 4, 1, 2))
    return layer.reshape(n, -1, c)


def box_decode(rel_codes, boxes):
    TO_REMOVE = 1.0
    widths = boxes[:, 2] - boxes[:, 0] + TO_REMOVE
    heights = boxes[:, 3] - boxes[:, 1] + TO_REMOVE
    ctr_x = boxes[:, 0] + 0.5 * widths
    ctr_y = boxes[:, 1] + 0.5 * heights
    dx, dy = rel_codes[:, 0], rel_codes[:, 1]
    dw, dh = rel_codes[:, 2], rel_codes[:, 3]
    bbox_clip = math.log(1000.0 / 16)
    dw = jnp.minimum(dw, bbox_clip)
    dh = jnp.minimum(dh, bbox_clip)
    pred_ctr_x = dx * widths + ctr_x
    pred_ctr_y = dy * heights + ctr_y
    pred_w = jnp.exp(dw) * widths
    pred_h = jnp.exp(dh) * heights
    x1 = pred_ctr_x - 0.5 * (pred_w - 1)
    y1 = pred_ctr_y - 0.5 * (pred_h - 1)
    x2 = pred_ctr_x + 0.5 * (pred_w - 1)
    y2 = pred_ctr_y + 0.5 * (pred_h - 1)
    return jnp.stack([x1, y1, x2, y2], axis=1)


def iou_matrix(boxes):
    TO_REMOVE = 1.0
    area = (boxes[:, 2] - boxes[:, 0] + TO_REMOVE) * (boxes[:, 3] - boxes[:, 1] + TO_REMOVE)
    lt = jnp.maximum(boxes[:, None, :2], boxes[None, :, :2])
    rb = jnp.minimum(boxes[:, None, 2:], boxes[None, :, 2:])
    wh = jnp.maximum(rb - lt + TO_REMOVE, 0.0)
    inter = wh[..., 0] * wh[..., 1]
    return inter / (area[:, None] + area[None, :] - inter)


def nms_keep(boxes, valid, thresh):
    K = boxes.shape[0]
    iou = iou_matrix(boxes)
    idxs = jnp.arange(K)

    def body(keep, i):
        suppress = (iou[i] > thresh) & (idxs > i) & (keep[i] > 0)
        keep = keep * (1.0 - suppress.astype(jnp.float32))
        return keep, None

    keep0 = valid.astype(jnp.float32)
    keep, _ = jax.lax.scan(body, keep0, idxs)
    return keep


def reference(objectness, box_regression, cls, anchors):
    n = objectness.shape[0]
    obj = permute_and_flatten(objectness, n, A, 1, H, W).reshape(n, -1)
    obj = jax.nn.sigmoid(obj)
    cls_f = permute_and_flatten(cls, n, A, C, H, W)
    reg = permute_and_flatten(box_regression, n, A, 4, H, W)
    num_anchors = A * H * W
    pre = min(PRE_NMS_TOP_N, num_anchors)
    scores, topk_idx = jax.lax.top_k(obj, pre)
    batch_idx = jnp.arange(n)[:, None]
    reg_sel = reg[batch_idx, topk_idx]
    cls_sel = cls_f[batch_idx, topk_idx]
    anc = anchors.reshape(n, -1, 4)[batch_idx, topk_idx]
    proposals = box_decode(reg_sel.reshape(-1, 4), anc.reshape(-1, 4)).reshape(n, -1, 4)
    labels = jnp.argmax(cls_sel, axis=-1) + 1
    results = []
    for i in range(n):
        boxes = proposals[i]
        x1 = jnp.clip(boxes[:, 0], 0.0, IMG - 1)
        y1 = jnp.clip(boxes[:, 1], 0.0, IMG - 1)
        x2 = jnp.clip(boxes[:, 2], 0.0, IMG - 1)
        y2 = jnp.clip(boxes[:, 3], 0.0, IMG - 1)
        boxes = jnp.stack([x1, y1, x2, y2], axis=1)
        ws = boxes[:, 2] - boxes[:, 0] + 1
        hs = boxes[:, 3] - boxes[:, 1] + 1
        valid = (ws >= MIN_SIZE) & (hs >= MIN_SIZE)
        keep = nms_keep(boxes, valid, NMS_THRESH)
        order = jnp.argsort(1.0 - keep)[:POST_NMS_TOP_N]
        kcount = jnp.sum(keep).astype(jnp.int32)
        vmask = (jnp.arange(POST_NMS_TOP_N) < kcount).astype(jnp.float32)
        b = boxes[order] * vmask[:, None]
        s = scores[i][order] * vmask
        results.append(jnp.concatenate([b, s[:, None]], axis=1))
    return jnp.stack(results, axis=0)

if __name__ == "__main__":
    import jax
    _d = setup_inputs()
    print(jax.jit(kernel)(*tuple(_d.values())))

</pallas_src>

<mosaic_0001>
#map = affine_map<(d0, d1) -> (0, 0)>
module attributes {stable_mosaic.version = 14 : i64} {
  func.func @sd_kernel(%arg0: i32, %arg1: i32, %arg2: memref<20x6016xf32, #tpu.memory_space<hbm>>, %arg3: memref<4x6016xi32, #tpu.memory_space<hbm>>, %arg4: memref<4x6016xi32, #tpu.memory_space<hbm>>, %arg5: memref<20x1024xf32, #tpu.memory_space<hbm>>, %arg6: memref<6016xf32, #tpu.memory_space<vmem>>, %arg7: memref<6016xi32, #tpu.memory_space<vmem>>, %arg8: memref<6016xi32, #tpu.memory_space<vmem>>, %arg9: memref<1024xf32, #tpu.memory_space<vmem>>) attributes {dimension_semantics = [#tpu.dimension_semantics<core_parallel>, #tpu.dimension_semantics<subcore_parallel>], iteration_bounds = array<i64: 2, 16>, scalar_prefetch = 0 : i64, scratch_operands = 4 : i64, tpu.core_type = #tpu.core_type<sc_vector_subcore>, window_params = [{transform_indices = #map}, {transform_indices = #map}, {transform_indices = #map}, {transform_indices = #map}]} {
    %mul3A = arith.constant 16 : i32
    %mul3A_0 = arith.muli %arg0, %mul3A : i32
    %add3A = arith.addi %mul3A_0, %arg1 : i32
    %lt3A = arith.constant 20 : i32
    %lt3A_1 = arith.cmpi slt, %add3A, %lt3A : i32
    %convert_element_type3A = arith.extui %lt3A_1 : i1 to i32
    %cond3A = arith.constant 0 : i32
    %cond3A_2 = arith.cmpi ne, %convert_element_type3A, %cond3A : i32
    scf.if %cond3A_2 {
      "tpu.region"() ({
        %run_scoped3A = tpu.sem_alloc : memref<!tpu.dma_semaphore, #tpu.memory_space<semaphore_mem>>
        %dma_start3A = arith.constant 0 : i32
        %dma_start3A_52 = tpu.memref_slice %arg2[%add3A, %dma_start3A] : memref<20x6016xf32, #tpu.memory_space<hbm>> -> memref<1x6016xf32, #tpu.memory_space<hbm>>
        %dma_start3A_53 = tpu.memref_squeeze %dma_start3A_52 : memref<1x6016xf32, #tpu.memory_space<hbm>> -> memref<6016xf32, #tpu.memory_space<hbm>>
        %dma_start3A_54 = arith.constant 0 : i32
        %dma_start3A_55 = tpu.memref_slice %arg2[%add3A, %dma_start3A_54] : memref<20x6016xf32, #tpu.memory_space<hbm>> -> memref<1x6016xf32, #tpu.memory_space<hbm>>
        %dma_start3A_56 = tpu.memref_squeeze %dma_start3A_55 : memref<1x6016xf32, #tpu.memory_space<hbm>> -> memref<6016xf32, #tpu.memory_space<hbm>>
        tpu.enqueue_dma source(%dma_start3A_56 : memref<6016xf32, #tpu.memory_space<hbm>>) target(%arg6 : memref<6016xf32, #tpu.memory_space<vmem>>) target_semaphore(%run_scoped3A : memref<!tpu.dma_semaphore, #tpu.memory_space<semaphore_mem>>)
        %dma_wait3A = arith.constant 0 : i32
        %dma_wait3A_57 = tpu.memref_slice %arg2[%add3A, %dma_wait3A] : memref<20x6016xf32, #tpu.memory_space<hbm>> -> memref<1x6016xf32, #tpu.memory_space<hbm>>
        %dma_wait3A_58 = tpu.memref_squeeze %dma_wait3A_57 : memref<1x6016xf32, #tpu.memory_space<hbm>> -> memref<6016xf32, #tpu.memory_space<hbm>>
        %dma_wait3A_59 = arith.constant 0 : i32
        %dma_wait3A_60 = tpu.memref_slice %arg2[%add3A, %dma_wait3A_59] : memref<20x6016xf32, #tpu.memory_space<hbm>> -> memref<1x6016xf32, #tpu.memory_space<hbm>>
        %dma_wait3A_61 = tpu.memref_squeeze %dma_wait3A_60 : memref<1x6016xf32, #tpu.memory_space<hbm>> -> memref<6016xf32, #tpu.memory_space<hbm>>
        tpu.wait_dma2 semaphore(%run_scoped3A : memref<!tpu.dma_semaphore, #tpu.memory_space<semaphore_mem>>) src(%dma_wait3A_61 : memref<6016xf32, #tpu.memory_space<hbm>>) dst(%arg6 : memref<6016xf32, #tpu.memory_space<vmem>>)
        tpu.yield
      }) : () -> ()
      %jit3A = arith.constant 5 : i32
      %div3A = arith.divsi %add3A, %jit3A : i32
      %sign3A = arith.constant 0 : i32
      %sign3A_3 = arith.cmpi sgt, %add3A, %sign3A : i32
      %sign3A_4 = arith.extui %sign3A_3 : i1 to i32
      %sign3A_5 = arith.constant 0 : i32
      %sign3A_6 = arith.cmpi slt, %add3A, %sign3A_5 : i32
      %sign3A_7 = arith.extui %sign3A_6 : i1 to i32
      %sign3A_8 = arith.subi %sign3A_4, %sign3A_7 : i32
      %sign3A_9 = arith.constant 0 : i32
      %sign3A_10 = arith.cmpi sgt, %jit3A, %sign3A_9 : i32
      %sign3A_11 = arith.extui %sign3A_10 : i1 to i32
      %sign3A_12 = arith.constant 0 : i32
      %sign3A_13 = arith.cmpi slt, %jit3A, %sign3A_12 : i32
      %sign3A_14 = arith.extui %sign3A_13 : i1 to i32
      %sign3A_15 = arith.subi %sign3A_11, %sign3A_14 : i32
      %ne3A = arith.cmpi ne, %sign3A_8, %sign3A_15 : i32
      %rem3A = arith.remsi %add3A, %jit3A : i32
      %ne3A_16 = arith.constant 0 : i32
      %ne3A_17 = arith.cmpi ne, %rem3A, %ne3A_16 : i32
      %and3A = arith.andi %ne3A, %ne3A_17 : i1
      %sub3A = arith.constant 1 : i32
      %sub3A_18 = arith.subi %div3A, %sub3A : i32
      %select_n3A = arith.select %and3A, %sub3A_18, %div3A : i32
      "tpu.region"() ({
        %run_scoped3A = tpu.sem_alloc : memref<!tpu.dma_semaphore, #tpu.memory_space<semaphore_mem>>
        %dma_start3A = arith.constant 0 : i32
        %dma_start3A_52 = tpu.memref_slice %arg3[%select_n3A, %dma_start3A] : memref<4x6016xi32, #tpu.memory_space<hbm>> -> memref<1x6016xi32, #tpu.memory_space<hbm>>
        %dma_start3A_53 = tpu.memref_squeeze %dma_start3A_52 : memref<1x6016xi32, #tpu.memory_space<hbm>> -> memref<6016xi32, #tpu.memory_space<hbm>>
        %dma_start3A_54 = arith.constant 0 : i32
        %dma_start3A_55 = tpu.memref_slice %arg3[%select_n3A, %dma_start3A_54] : memref<4x6016xi32, #tpu.memory_space<hbm>> -> memref<1x6016xi32, #tpu.memory_space<hbm>>
        %dma_start3A_56 = tpu.memref_squeeze %dma_start3A_55 : memref<1x6016xi32, #tpu.memory_space<hbm>> -> memref<6016xi32, #tpu.memory_space<hbm>>
        tpu.enqueue_dma source(%dma_start3A_56 : memref<6016xi32, #tpu.memory_space<hbm>>) target(%arg7 : memref<6016xi32, #tpu.memory_space<vmem>>) target_semaphore(%run_scoped3A : memref<!tpu.dma_semaphore, #tpu.memory_space<semaphore_mem>>)
        %dma_wait3A = arith.constant 0 : i32
        %dma_wait3A_57 = tpu.memref_slice %arg3[%select_n3A, %dma_wait3A] : memref<4x6016xi32, #tpu.memory_space<hbm>> -> memref<1x6016xi32, #tpu.memory_space<hbm>>
        %dma_wait3A_58 = tpu.memref_squeeze %dma_wait3A_57 : memref<1x6016xi32, #tpu.memory_space<hbm>> -> memref<6016xi32, #tpu.memory_space<hbm>>
        %dma_wait3A_59 = arith.constant 0 : i32
        %dma_wait3A_60 = tpu.memref_slice %arg3[%select_n3A, %dma_wait3A_59] : memref<4x6016xi32, #tpu.memory_space<hbm>> -> memref<1x6016xi32, #tpu.memory_space<hbm>>
        %dma_wait3A_61 = tpu.memref_squeeze %dma_wait3A_60 : memref<1x6016xi32, #tpu.memory_space<hbm>> -> memref<6016xi32, #tpu.memory_space<hbm>>
        tpu.wait_dma2 semaphore(%run_scoped3A : memref<!tpu.dma_semaphore, #tpu.memory_space<semaphore_mem>>) src(%dma_wait3A_61 : memref<6016xi32, #tpu.memory_space<hbm>>) dst(%arg7 : memref<6016xi32, #tpu.memory_space<vmem>>)
        tpu.yield
      }) : () -> ()
      %jit3A_19 = arith.constant 5 : i32
      %div3A_20 = arith.divsi %add3A, %jit3A_19 : i32
      %sign3A_21 = arith.constant 0 : i32
      %sign3A_22 = arith.cmpi sgt, %add3A, %sign3A_21 : i32
      %sign3A_23 = arith.extui %sign3A_22 : i1 to i32
      %sign3A_24 = arith.constant 0 : i32
      %sign3A_25 = arith.cmpi slt, %add3A, %sign3A_24 : i32
      %sign3A_26 = arith.extui %sign3A_25 : i1 to i32
      %sign3A_27 = arith.subi %sign3A_23, %sign3A_26 : i32
      %sign3A_28 = arith.constant 0 : i32
      %sign3A_29 = arith.cmpi sgt, %jit3A_19, %sign3A_28 : i32
      %sign3A_30 = arith.extui %sign3A_29 : i1 to i32
      %sign3A_31 = arith.constant 0 : i32
      %sign3A_32 = arith.cmpi slt, %jit3A_19, %sign3A_31 : i32
      %sign3A_33 = arith.extui %sign3A_32 : i1 to i32
      %sign3A_34 = arith.subi %sign3A_30, %sign3A_33 : i32
      %ne3A_35 = arith.cmpi ne, %sign3A_27, %sign3A_34 : i32
      %rem3A_36 = arith.remsi %add3A, %jit3A_19 : i32
      %ne3A_37 = arith.constant 0 : i32
      %ne3A_38 = arith.cmpi ne, %rem3A_36, %ne3A_37 : i32
      %and3A_39 = arith.andi %ne3A_35, %ne3A_38 : i1
      %sub3A_40 = arith.constant 1 : i32
      %sub3A_41 = arith.subi %div3A_20, %sub3A_40 : i32
      %select_n3A_42 = arith.select %and3A_39, %sub3A_41, %div3A_20 : i32
      "tpu.region"() ({
        %run_scoped3A = tpu.sem_alloc : memref<!tpu.dma_semaphore, #tpu.memory_space<semaphore_mem>>
        %dma_start3A = arith.constant 0 : i32
        %dma_start3A_52 = tpu.memref_slice %arg4[%select_n3A_42, %dma_start3A] : memref<4x6016xi32, #tpu.memory_space<hbm>> -> memref<1x6016xi32, #tpu.memory_space<hbm>>
        %dma_start3A_53 = tpu.memref_squeeze %dma_start3A_52 : memref<1x6016xi32, #tpu.memory_space<hbm>> -> memref<6016xi32, #tpu.memory_space<hbm>>
        %dma_start3A_54 = arith.constant 0 : i32
        %dma_start3A_55 = tpu.memref_slice %arg4[%select_n3A_42, %dma_start3A_54] : memref<4x6016xi32, #tpu.memory_space<hbm>> -> memref<1x6016xi32, #tpu.memory_space<hbm>>
        %dma_start3A_56 = tpu.memref_squeeze %dma_start3A_55 : memref<1x6016xi32, #tpu.memory_space<hbm>> -> memref<6016xi32, #tpu.memory_space<hbm>>
        tpu.enqueue_dma source(%dma_start3A_56 : memref<6016xi32, #tpu.memory_space<hbm>>) target(%arg8 : memref<6016xi32, #tpu.memory_space<vmem>>) target_semaphore(%run_scoped3A : memref<!tpu.dma_semaphore, #tpu.memory_space<semaphore_mem>>)
        %dma_wait3A = arith.constant 0 : i32
        %dma_wait3A_57 = tpu.memref_slice %arg4[%select_n3A_42, %dma_wait3A] : memref<4x6016xi32, #tpu.memory_space<hbm>> -> memref<1x6016xi32, #tpu.memory_space<hbm>>
        %dma_wait3A_58 = tpu.memref_squeeze %dma_wait3A_57 : memref<1x6016xi32, #tpu.memory_space<hbm>> -> memref<6016xi32, #tpu.memory_space<hbm>>
        %dma_wait3A_59 = arith.constant 0 : i32
        %dma_wait3A_60 = tpu.memref_slice %arg4[%select_n3A_42, %dma_wait3A_59] : memref<4x6016xi32, #tpu.memory_space<hbm>> -> memref<1x6016xi32, #tpu.memory_space<hbm>>
        %dma_wait3A_61 = tpu.memref_squeeze %dma_wait3A_60 : memref<1x6016xi32, #tpu.memory_space<hbm>> -> memref<6016xi32, #tpu.memory_space<hbm>>
        tpu.wait_dma2 semaphore(%run_scoped3A : memref<!tpu.dma_semaphore, #tpu.memory_space<semaphore_mem>>) src(%dma_wait3A_61 : memref<6016xi32, #tpu.memory_space<hbm>>) dst(%arg8 : memref<6016xi32, #tpu.memory_space<vmem>>)
        tpu.yield
      }) : () -> ()
      %scan3A = arith.constant 0 : i32
      %scan3A_43 = arith.constant 64 : i32
      %scan3A_44 = arith.addi %scan3A, %scan3A_43 : i32
      %scan3A_45 = arith.constant 1 : i32
      scf.for %scan3A_52 = %scan3A to %scan3A_44 step %scan3A_45  : i32 {
        %mul3A_53 = arith.constant 1 : i32
        %mul3A_54 = arith.muli %scan3A_52, %mul3A_53 : i32
        %add3A_55 = arith.constant 0 : i32
        %add3A_56 = arith.addi %add3A_55, %mul3A_54 : i32
        %broadcast_in_dim3A = arith.constant 0.000000e+00 : f32
        %broadcast_in_dim3A_57 = vector.broadcast %broadcast_in_dim3A : f32 to vector<16xf32>
        %mul3A_58 = arith.constant 16 : i32
        %mul3A_59 = arith.muli %add3A_56, %mul3A_58 : i32
        %swap3A = arith.index_cast %mul3A_59 : i32 to index
        %swap3A_60 = tpu.vector_load %arg9[%swap3A] {strides = array<i32>} : memref<1024xf32, #tpu.memory_space<vmem>>, vector<16xf32>,
        tpu.vector_store %arg9[%swap3A], %broadcast_in_dim3A_57 {strides = array<i32>} : memref<1024xf32, #tpu.memory_space<vmem>>, vector<16xf32>,
      }
      %scan3A_46 = arith.constant 64 : i32
      %scan3A_47 = arith.constant 0 : i32
      %scan3A_48 = arith.constant 376 : i32
      %scan3A_49 = arith.addi %scan3A_47, %scan3A_48 : i32
      %scan3A_50 = arith.constant 1 : i32
      scf.for %scan3A_52 = %scan3A_47 to %scan3A_49 step %scan3A_50  : i32 {
        %mul3A_53 = arith.constant 1 : i32
        %mul3A_54 = arith.muli %scan3A_52, %mul3A_53 : i32
        %add3A_55 = arith.constant 0 : i32
        %add3A_56 = arith.addi %add3A_55, %mul3A_54 : i32
        %mul3A_57 = arith.constant 16 : i32
        %mul3A_58 = arith.muli %add3A_56, %mul3A_57 : i32
        %get3A = arith.index_cast %mul3A_58 : i32 to index
        %get3A_59 = tpu.vector_load %arg7[%get3A] {strides = array<i32>} : memref<6016xi32, #tpu.memory_space<vmem>>, vector<16xi32>,
        %mul3A_60 = arith.constant 16 : i32
        %mul3A_61 = arith.muli %add3A_56, %mul3A_60 : i32
        %get3A_62 = arith.index_cast %mul3A_61 : i32 to index
        %get3A_63 = tpu.vector_load %arg8[%get3A_62] {strides = array<i32>} : memref<6016xi32, #tpu.memory_space<vmem>>, vector<16xi32>,
        %mul3A_64 = arith.constant 16 : i32
        %mul3A_65 = arith.muli %add3A_56, %mul3A_64 : i32
        %get3A_66 = arith.index_cast %mul3A_65 : i32 to index
        %get3A_67 = tpu.vector_load %arg6[%get3A_66] {strides = array<i32>} : memref<6016xf32, #tpu.memory_space<vmem>>, vector<16xf32>,
        %gt3A = arith.constant 0 : i32
        %gt3A_68 = vector.broadcast %gt3A : i32 to vector<16xi32>
        %gt3A_69 = arith.cmpi sgt, %get3A_59, %gt3A_68 : vector<16xi32>
        %lt3A_70 = arith.constant 1000 : i32
        %lt3A_71 = vector.broadcast %lt3A_70 : i32 to vector<16xi32>
        %lt3A_72 = arith.cmpi slt, %get3A_63, %lt3A_71 : vector<16xi32>
        %and3A_73 = arith.andi %gt3A_69, %lt3A_72 : vector<16xi1>
        %max3A = arith.constant 0 : i32
        %max3A_74 = vector.broadcast %max3A : i32 to vector<16xi32>
        %max3A_75 = arith.maxsi %get3A_63, %max3A_74 : vector<16xi32>
        %min3A = arith.constant 1023 : i32
        %min3A_76 = vector.broadcast %min3A : i32 to vector<16xi32>
        %min3A_77 = arith.minsi %max3A_75, %min3A_76 : vector<16xi32>
        tpu.vector_store_idx %arg9[%min3A_77], %get3A_67 masked %and3A_73 : memref<1024xf32, #tpu.memory_space<vmem>>[vector<16xi32>], vector<16xf32>, vector<16xi1>
      }
      %scan3A_51 = arith.constant 376 : i32
      "tpu.region"() ({
        %run_scoped3A = tpu.sem_alloc : memref<!tpu.dma_semaphore, #tpu.memory_space<semaphore_mem>>
        %dma_start3A = arith.constant 0 : i32
        %dma_start3A_52 = tpu.memref_slice %arg5[%add3A, %dma_start3A] : memref<20x1024xf32, #tpu.memory_space<hbm>> -> memref<1x1024xf32, #tpu.memory_space<hbm>>
        %dma_start3A_53 = tpu.memref_squeeze %dma_start3A_52 : memref<1x1024xf32, #tpu.memory_space<hbm>> -> memref<1024xf32, #tpu.memory_space<hbm>>
        %dma_start3A_54 = arith.constant 0 : i32
        %dma_start3A_55 = tpu.memref_slice %arg5[%add3A, %dma_start3A_54] : memref<20x1024xf32, #tpu.memory_space<hbm>> -> memref<1x1024xf32, #tpu.memory_space<hbm>>
        %dma_start3A_56 = tpu.memref_squeeze %dma_start3A_55 : memref<1x1024xf32, #tpu.memory_space<hbm>> -> memref<1024xf32, #tpu.memory_space<hbm>>
        tpu.enqueue_dma source(%arg9 : memref<1024xf32, #tpu.memory_space<vmem>>) target(%dma_start3A_56 : memref<1024xf32, #tpu.memory_space<hbm>>) target_semaphore(%run_scoped3A : memref<!tpu.dma_semaphore, #tpu.memory_space<semaphore_mem>>)
        %dma_wait3A = arith.constant 0 : i32
        %dma_wait3A_57 = tpu.memref_slice %arg5[%add3A, %dma_wait3A] : memref<20x1024xf32, #tpu.memory_space<hbm>> -> memref<1x1024xf32, #tpu.memory_space<hbm>>
        %dma_wait3A_58 = tpu.memref_squeeze %dma_wait3A_57 : memref<1x1024xf32, #tpu.memory_space<hbm>> -> memref<1024xf32, #tpu.memory_space<hbm>>
        %dma_wait3A_59 = arith.constant 0 : i32
        %dma_wait3A_60 = tpu.memref_slice %arg5[%add3A, %dma_wait3A_59] : memref<20x1024xf32, #tpu.memory_space<hbm>> -> memref<1x1024xf32, #tpu.memory_space<hbm>>
        %dma_wait3A_61 = tpu.memref_squeeze %dma_wait3A_60 : memref<1x1024xf32, #tpu.memory_space<hbm>> -> memref<1024xf32, #tpu.memory_space<hbm>>
        tpu.wait_dma2 semaphore(%run_scoped3A : memref<!tpu.dma_semaphore, #tpu.memory_space<semaphore_mem>>) src(%arg9 : memref<1024xf32, #tpu.memory_space<vmem>>) dst(%dma_wait3A_61 : memref<1024xf32, #tpu.memory_space<hbm>>)
        tpu.yield
      }) : () -> ()
    } else {
    }
    return
  }
}

#map = affine_map<(d0, d1) -> (0, 0)>
module attributes {stable_mosaic.version = 14 : i64} {
  func.func @sb_kernel(%arg0: i32, %arg1: i32, %arg2: memref<20x8192xf32, #tpu.memory_space<hbm>>, %arg3: memref<4x8192xi32, #tpu.memory_space<hbm>>, %arg4: memref<20x6016xf32, #tpu.memory_space<hbm>>, %arg5: memref<8192xf32, #tpu.memory_space<vmem>>, %arg6: memref<8192xi32, #tpu.memory_space<vmem>>, %arg7: memref<6016xf32, #tpu.memory_space<vmem>>) attributes {dimension_semantics = [#tpu.dimension_semantics<core_parallel>, #tpu.dimension_semantics<subcore_parallel>], iteration_bounds = array<i64: 2, 16>, scalar_prefetch = 0 : i64, scratch_operands = 3 : i64, tpu.core_type = #tpu.core_type<sc_vector_subcore>, window_params = [{transform_indices = #map}, {transform_indices = #map}, {transform_indices = #map}]} {
    %mul3A = arith.constant 16 : i32
    %mul3A_0 = arith.muli %arg0, %mul3A : i32
    %add3A = arith.addi %mul3A_0, %arg1 : i32
    %lt3A = arith.constant 20 : i32
    %lt3A_1 = arith.cmpi slt, %add3A, %lt3A : i32
    %convert_element_type3A = arith.extui %lt3A_1 : i1 to i32
    %cond3A = arith.constant 0 : i32
    %cond3A_2 = arith.cmpi ne, %convert_element_type3A, %cond3A : i32
    scf.if %cond3A_2 {
      "tpu.region"() ({
        %run_scoped3A = tpu.sem_alloc : memref<!tpu.dma_semaphore, #tpu.memory_space<semaphore_mem>>
        %dma_start3A = arith.constant 0 : i32
        %dma_start3A_23 = tpu.memref_slice %arg2[%add3A, %dma_start3A] : memref<20x8192xf32, #tpu.memory_space<hbm>> -> memref<1x8192xf32, #tpu.memory_space<hbm>>
        %dma_start3A_24 = tpu.memref_squeeze %dma_start3A_23 : memref<1x8192xf32, #tpu.memory_space<hbm>> -> memref<8192xf32, #tpu.memory_space<hbm>>
        %dma_start3A_25 = arith.constant 0 : i32
        %dma_start3A_26 = tpu.memref_slice %arg2[%add3A, %dma_start3A_25] : memref<20x8192xf32, #tpu.memory_space<hbm>> -> memref<1x8192xf32, #tpu.memory_space<hbm>>
        %dma_start3A_27 = tpu.memref_squeeze %dma_start3A_26 : memref<1x8192xf32, #tpu.memory_space<hbm>> -> memref<8192xf32, #tpu.memory_space<hbm>>
        tpu.enqueue_dma source(%dma_start3A_27 : memref<8192xf32, #tpu.memory_space<hbm>>) target(%arg5 : memref<8192xf32, #tpu.memory_space<vmem>>) target_semaphore(%run_scoped3A : memref<!tpu.dma_semaphore, #tpu.memory_space<semaphore_mem>>)
        %dma_wait3A = arith.constant 0 : i32
        %dma_wait3A_28 = tpu.memref_slice %arg2[%add3A, %dma_wait3A] : memref<20x8192xf32, #tpu.memory_space<hbm>> -> memref<1x8192xf32, #tpu.memory_space<hbm>>
        %dma_wait3A_29 = tpu.memref_squeeze %dma_wait3A_28 : memref<1x8192xf32, #tpu.memory_space<hbm>> -> memref<8192xf32, #tpu.memory_space<hbm>>
        %dma_wait3A_30 = arith.constant 0 : i32
        %dma_wait3A_31 = tpu.memref_slice %arg2[%add3A, %dma_wait3A_30] : memref<20x8192xf32, #tpu.memory_space<hbm>> -> memref<1x8192xf32, #tpu.memory_space<hbm>>
        %dma_wait3A_32 = tpu.memref_squeeze %dma_wait3A_31 : memref<1x8192xf32, #tpu.memory_space<hbm>> -> memref<8192xf32, #tpu.memory_space<hbm>>
        tpu.wait_dma2 semaphore(%run_scoped3A : memref<!tpu.dma_semaphore, #tpu.memory_space<semaphore_mem>>) src(%dma_wait3A_32 : memref<8192xf32, #tpu.memory_space<hbm>>) dst(%arg5 : memref<8192xf32, #tpu.memory_space<vmem>>)
        tpu.yield
      }) : () -> ()
      %jit3A = arith.constant 5 : i32
      %div3A = arith.divsi %add3A, %jit3A : i32
      %sign3A = arith.constant 0 : i32
      %sign3A_3 = arith.cmpi sgt, %add3A, %sign3A : i32
      %sign3A_4 = arith.extui %sign3A_3 : i1 to i32
      %sign3A_5 = arith.constant 0 : i32
      %sign3A_6 = arith.cmpi slt, %add3A, %sign3A_5 : i32
      %sign3A_7 = arith.extui %sign3A_6 : i1 to i32
      %sign3A_8 = arith.subi %sign3A_4, %sign3A_7 : i32
      %sign3A_9 = arith.constant 0 : i32
      %sign3A_10 = arith.cmpi sgt, %jit3A, %sign3A_9 : i32
      %sign3A_11 = arith.extui %sign3A_10 : i1 to i32
      %sign3A_12 = arith.constant 0 : i32
      %sign3A_13 = arith.cmpi slt, %jit3A, %sign3A_12 : i32
      %sign3A_14 = arith.extui %sign3A_13 : i1 to i32
      %sign3A_15 = arith.subi %sign3A_11, %sign3A_14 : i32
      %ne3A = arith.cmpi ne, %sign3A_8, %sign3A_15 : i32
      %rem3A = arith.remsi %add3A, %jit3A : i32
      %ne3A_16 = arith.constant 0 : i32
      %ne3A_17 = arith.cmpi ne, %rem3A, %ne3A_16 : i32
      %and3A = arith.andi %ne3A, %ne3A_17 : i1
      %sub3A = arith.constant 1 : i32
      %sub3A_18 = arith.subi %div3A, %sub3A : i32
      %select_n3A = arith.select %and3A, %sub3A_18, %div3A : i32
      "tpu.region"() ({
        %run_scoped3A = tpu.sem_alloc : memref<!tpu.dma_semaphore, #tpu.memory_space<semaphore_mem>>
        %dma_start3A = arith.constant 0 : i32
        %dma_start3A_23 = tpu.memref_slice %arg3[%select_n3A, %dma_start3A] : memref<4x8192xi32, #tpu.memory_space<hbm>> -> memref<1x8192xi32, #tpu.memory_space<hbm>>
        %dma_start3A_24 = tpu.memref_squeeze %dma_start3A_23 : memref<1x8192xi32, #tpu.memory_space<hbm>> -> memref<8192xi32, #tpu.memory_space<hbm>>
        %dma_start3A_25 = arith.constant 0 : i32
        %dma_start3A_26 = tpu.memref_slice %arg3[%select_n3A, %dma_start3A_25] : memref<4x8192xi32, #tpu.memory_space<hbm>> -> memref<1x8192xi32, #tpu.memory_space<hbm>>
        %dma_start3A_27 = tpu.memref_squeeze %dma_start3A_26 : memref<1x8192xi32, #tpu.memory_space<hbm>> -> memref<8192xi32, #tpu.memory_space<hbm>>
        tpu.enqueue_dma source(%dma_start3A_27 : memref<8192xi32, #tpu.memory_space<hbm>>) target(%arg6 : memref<8192xi32, #tpu.memory_space<vmem>>) target_semaphore(%run_scoped3A : memref<!tpu.dma_semaphore, #tpu.memory_space<semaphore_mem>>)
        %dma_wait3A = arith.constant 0 : i32
        %dma_wait3A_28 = tpu.memref_slice %arg3[%select_n3A, %dma_wait3A] : memref<4x8192xi32, #tpu.memory_space<hbm>> -> memref<1x8192xi32, #tpu.memory_space<hbm>>
        %dma_wait3A_29 = tpu.memref_squeeze %dma_wait3A_28 : memref<1x8192xi32, #tpu.memory_space<hbm>> -> memref<8192xi32, #tpu.memory_space<hbm>>
        %dma_wait3A_30 = arith.constant 0 : i32
        %dma_wait3A_31 = tpu.memref_slice %arg3[%select_n3A, %dma_wait3A_30] : memref<4x8192xi32, #tpu.memory_space<hbm>> -> memref<1x8192xi32, #tpu.memory_space<hbm>>
        %dma_wait3A_32 = tpu.memref_squeeze %dma_wait3A_31 : memref<1x8192xi32, #tpu.memory_space<hbm>> -> memref<8192xi32, #tpu.memory_space<hbm>>
        tpu.wait_dma2 semaphore(%run_scoped3A : memref<!tpu.dma_semaphore, #tpu.memory_space<semaphore_mem>>) src(%dma_wait3A_32 : memref<8192xi32, #tpu.memory_space<hbm>>) dst(%arg6 : memref<8192xi32, #tpu.memory_space<vmem>>)
        tpu.yield
      }) : () -> ()
      %scan3A = arith.constant 0 : i32
      %scan3A_19 = arith.constant 512 : i32
      %scan3A_20 = arith.addi %scan3A, %scan3A_19 : i32
      %scan3A_21 = arith.constant 1 : i32
      scf.for %scan3A_23 = %scan3A to %scan3A_20 step %scan3A_21  : i32 {
        %mul3A_24 = arith.constant 1 : i32
        %mul3A_25 = arith.muli %scan3A_23, %mul3A_24 : i32
        %add3A_26 = arith.constant 0 : i32
        %add3A_27 = arith.addi %add3A_26, %mul3A_25 : i32
        %mul3A_28 = arith.constant 16 : i32
        %mul3A_29 = arith.muli %add3A_27, %mul3A_28 : i32
        %get3A = arith.index_cast %mul3A_29 : i32 to index
        %get3A_30 = tpu.vector_load %arg6[%get3A] {strides = array<i32>} : memref<8192xi32, #tpu.memory_space<vmem>>, vector<16xi32>,
        %mul3A_31 = arith.constant 16 : i32
        %mul3A_32 = arith.muli %add3A_27, %mul3A_31 : i32
        %get3A_33 = arith.index_cast %mul3A_32 : i32 to index
        %get3A_34 = tpu.vector_load %arg5[%get3A_33] {strides = array<i32>} : memref<8192xf32, #tpu.memory_space<vmem>>, vector<16xf32>,
        %lt3A_35 = arith.constant 6016 : i32
        %lt3A_36 = vector.broadcast %lt3A_35 : i32 to vector<16xi32>
        %lt3A_37 = arith.cmpi slt, %get3A_30, %lt3A_36 : vector<16xi32>
        %min3A = arith.constant 6015 : i32
        %min3A_38 = vector.broadcast %min3A : i32 to vector<16xi32>
        %min3A_39 = arith.minsi %get3A_30, %min3A_38 : vector<16xi32>
        tpu.vector_store_idx %arg7[%min3A_39], %get3A_34 masked %lt3A_37 : memref<6016xf32, #tpu.memory_space<vmem>>[vector<16xi32>], vector<16xf32>, vector<16xi1>
      }
      %scan3A_22 = arith.constant 512 : i32
      "tpu.region"() ({
        %run_scoped3A = tpu.sem_alloc : memref<!tpu.dma_semaphore, #tpu.memory_space<semaphore_mem>>
        %dma_start3A = arith.constant 0 : i32
        %dma_start3A_23 = tpu.memref_slice %arg4[%add3A, %dma_start3A] : memref<20x6016xf32, #tpu.memory_space<hbm>> -> memref<1x6016xf32, #tpu.memory_space<hbm>>
        %dma_start3A_24 = tpu.memref_squeeze %dma_start3A_23 : memref<1x6016xf32, #tpu.memory_space<hbm>> -> memref<6016xf32, #tpu.memory_space<hbm>>
        %dma_start3A_25 = arith.constant 0 : i32
        %dma_start3A_26 = tpu.memref_slice %arg4[%add3A, %dma_start3A_25] : memref<20x6016xf32, #tpu.memory_space<hbm>> -> memref<1x6016xf32, #tpu.memory_space<hbm>>
        %dma_start3A_27 = tpu.memref_squeeze %dma_start3A_26 : memref<1x6016xf32, #tpu.memory_space<hbm>> -> memref<6016xf32, #tpu.memory_space<hbm>>
        tpu.enqueue_dma source(%arg7 : memref<6016xf32, #tpu.memory_space<vmem>>) target(%dma_start3A_27 : memref<6016xf32, #tpu.memory_space<hbm>>) target_semaphore(%run_scoped3A : memref<!tpu.dma_semaphore, #tpu.memory_space<semaphore_mem>>)
        %dma_wait3A = arith.constant 0 : i32
        %dma_wait3A_28 = tpu.memref_slice %arg4[%add3A, %dma_wait3A] : memref<20x6016xf32, #tpu.memory_space<hbm>> -> memref<1x6016xf32, #tpu.memory_space<hbm>>
        %dma_wait3A_29 = tpu.memref_squeeze %dma_wait3A_28 : memref<1x6016xf32, #tpu.memory_space<hbm>> -> memref<6016xf32, #tpu.memory_space<hbm>>
        %dma_wait3A_30 = arith.constant 0 : i32
        %dma_wait3A_31 = tpu.memref_slice %arg4[%add3A, %dma_wait3A_30] : memref<20x6016xf32, #tpu.memory_space<hbm>> -> memref<1x6016xf32, #tpu.memory_space<hbm>>
        %dma_wait3A_32 = tpu.memref_squeeze %dma_wait3A_31 : memref<1x6016xf32, #tpu.memory_space<hbm>> -> memref<6016xf32, #tpu.memory_space<hbm>>
        tpu.wait_dma2 semaphore(%run_scoped3A : memref<!tpu.dma_semaphore, #tpu.memory_space<semaphore_mem>>) src(%arg7 : memref<6016xf32, #tpu.memory_space<vmem>>) dst(%dma_wait3A_32 : memref<6016xf32, #tpu.memory_space<hbm>>)
        tpu.yield
      }) : () -> ()
    } else {
    }
    return
  }
}

module attributes {stable_mosaic.version = 14 : i64} {
  func.func @_stage_a_body(%arg0: memref<4x8192xf32, #tpu.memory_space<vmem>>, %arg1: memref<4x4x8192xf32, #tpu.memory_space<vmem>>, %arg2: memref<4x4x8192xf32, #tpu.memory_space<vmem>>, %arg3: memref<4x5x8192xf32, #tpu.memory_space<vmem>>, %arg4: memref<4x8192xi32, #tpu.memory_space<vmem>>, %arg5: memref<4x8192xf32, #tpu.memory_space<vmem>>) attributes {dimension_semantics = [], scalar_prefetch = 0 : i64, scratch_operands = 1 : i64, tpu.core_type = #tpu.core_type<tc>} {
    %get3A = arith.constant 0 : index
    %get3A_0 = arith.constant 0 : index
    %get3A_1 = vector.load %arg0[%get3A, %get3A_0] : memref<4x8192xf32, #tpu.memory_space<vmem>>, vector<4x8192xf32>
    %logistic3A = arith.negf %get3A_1 : vector<4x8192xf32>
    %logistic3A_2 = math.exp %logistic3A : vector<4x8192xf32>
    %logistic3A_3 = arith.constant 1.000000e+00 : f32
    %logistic3A_4 = vector.broadcast %logistic3A_3 : f32 to vector<4x8192xf32>
    %logistic3A_5 = arith.addf %logistic3A_4, %logistic3A_2 : vector<4x8192xf32>
    %logistic3A_6 = arith.divf %logistic3A_4, %logistic3A_5 : vector<4x8192xf32>
    %swap3A = arith.constant 0 : index
    %swap3A_7 = arith.constant 0 : index
    %swap3A_8 = vector.load %arg5[%swap3A, %swap3A_7] : memref<4x8192xf32, #tpu.memory_space<vmem>>, vector<4x8192xf32>
    tpu.vector_store %arg5[%swap3A, %swap3A_7], %logistic3A_6 {strides = array<i32>} : memref<4x8192xf32, #tpu.memory_space<vmem>>, vector<4x8192xf32>,
    %get3A_9 = arith.constant 0 : index
    %get3A_10 = arith.constant 0 : index
    %get3A_11 = arith.constant 0 : index
    %get3A_12 = vector.load %arg2[%get3A_9, %get3A_10, %get3A_11] : memref<4x4x8192xf32, #tpu.memory_space<vmem>>, vector<4x1x8192xf32>
    %get3A_13 = vector.shape_cast %get3A_12 : vector<4x1x8192xf32> to vector<4x8192xf32>
    %get3A_14 = arith.constant 0 : index
    %get3A_15 = arith.constant 1 : index
    %get3A_16 = arith.constant 0 : index
    %get3A_17 = vector.load %arg2[%get3A_14, %get3A_15, %get3A_16] : memref<4x4x8192xf32, #tpu.memory_space<vmem>>, vector<4x1x8192xf32>
    %get3A_18 = vector.shape_cast %get3A_17 : vector<4x1x8192xf32> to vector<4x8192xf32>
    %get3A_19 = arith.constant 0 : index
    %get3A_20 = arith.constant 2 : index
    %get3A_21 = arith.constant 0 : index
    %get3A_22 = vector.load %arg2[%get3A_19, %get3A_20, %get3A_21] : memref<4x4x8192xf32, #tpu.memory_space<vmem>>, vector<4x1x8192xf32>
    %get3A_23 = vector.shape_cast %get3A_22 : vector<4x1x8192xf32> to vector<4x8192xf32>
    %get3A_24 = arith.constant 0 : index
    %get3A_25 = arith.constant 3 : index
    %get3A_26 = arith.constant 0 : index
    %get3A_27 = vector.load %arg2[%get3A_24, %get3A_25, %get3A_26] : memref<4x4x8192xf32, #tpu.memory_space<vmem>>, vector<4x1x8192xf32>
    %get3A_28 = vector.shape_cast %get3A_27 : vector<4x1x8192xf32> to vector<4x8192xf32>
    %get3A_29 = arith.constant 0 : index
    %get3A_30 = arith.constant 0 : index
    %get3A_31 = arith.constant 0 : index
    %get3A_32 = vector.load %arg1[%get3A_29, %get3A_30, %get3A_31] : memref<4x4x8192xf32, #tpu.memory_space<vmem>>, vector<4x1x8192xf32>
    %get3A_33 = vector.shape_cast %get3A_32 : vector<4x1x8192xf32> to vector<4x8192xf32>
    %get3A_34 = arith.constant 0 : index
    %get3A_35 = arith.constant 1 : index
    %get3A_36 = arith.constant 0 : index
    %get3A_37 = vector.load %arg1[%get3A_34, %get3A_35, %get3A_36] : memref<4x4x8192xf32, #tpu.memory_space<vmem>>, vector<4x1x8192xf32>
    %get3A_38 = vector.shape_cast %get3A_37 : vector<4x1x8192xf32> to vector<4x8192xf32>
    %get3A_39 = arith.constant 0 : index
    %get3A_40 = arith.constant 2 : index
    %get3A_41 = arith.constant 0 : index
    %get3A_42 = vector.load %arg1[%get3A_39, %get3A_40, %get3A_41] : memref<4x4x8192xf32, #tpu.memory_space<vmem>>, vector<4x1x8192xf32>
    %get3A_43 = vector.shape_cast %get3A_42 : vector<4x1x8192xf32> to vector<4x8192xf32>
    %get3A_44 = arith.constant 0 : index
    %get3A_45 = arith.constant 3 : index
    %get3A_46 = arith.constant 0 : index
    %get3A_47 = vector.load %arg1[%get3A_44, %get3A_45, %get3A_46] : memref<4x4x8192xf32, #tpu.memory_space<vmem>>, vector<4x1x8192xf32>
    %get3A_48 = vector.shape_cast %get3A_47 : vector<4x1x8192xf32> to vector<4x8192xf32>
    %sub3A = arith.subf %get3A_23, %get3A_13 : vector<4x8192xf32>
    %add3A = arith.constant 1.000000e+00 : f32
    %add3A_49 = vector.broadcast %add3A : f32 to vector<4x8192xf32>
    %add3A_50 = arith.addf %sub3A, %add3A_49 : vector<4x8192xf32>
    %sub3A_51 = arith.subf %get3A_28, %get3A_18 : vector<4x8192xf32>
    %add3A_52 = arith.constant 1.000000e+00 : f32
    %add3A_53 = vector.broadcast %add3A_52 : f32 to vector<4x8192xf32>
    %add3A_54 = arith.addf %sub3A_51, %add3A_53 : vector<4x8192xf32>
    %mul3A = arith.constant 5.000000e-01 : f32
    %mul3A_55 = vector.broadcast %mul3A : f32 to vector<4x8192xf32>
    %mul3A_56 = arith.mulf %mul3A_55, %add3A_50 : vector<4x8192xf32>
    %add3A_57 = arith.addf %get3A_13, %mul3A_56 : vector<4x8192xf32>
    %mul3A_58 = arith.constant 5.000000e-01 : f32
    %mul3A_59 = vector.broadcast %mul3A_58 : f32 to vector<4x8192xf32>
    %mul3A_60 = arith.mulf %mul3A_59, %add3A_54 : vector<4x8192xf32>
    %add3A_61 = arith.addf %get3A_18, %mul3A_60 : vector<4x8192xf32>
    %min3A = arith.constant 4.13516665 : f32
    %min3A_62 = vector.broadcast %min3A : f32 to vector<4x8192xf32>
    %min3A_63 = arith.minimumf %get3A_43, %min3A_62 : vector<4x8192xf32>
    %min3A_64 = arith.constant 4.13516665 : f32
    %min3A_65 = vector.broadcast %min3A_64 : f32 to vector<4x8192xf32>
    %min3A_66 = arith.minimumf %get3A_48, %min3A_65 : vector<4x8192xf32>
    %mul3A_67 = arith.mulf %get3A_33, %add3A_50 : vector<4x8192xf32>
    %add3A_68 = arith.addf %mul3A_67, %add3A_57 : vector<4x8192xf32>
    %mul3A_69 = arith.mulf %get3A_38, %add3A_54 : vector<4x8192xf32>
    %add3A_70 = arith.addf %mul3A_69, %add3A_61 : vector<4x8192xf32>
    %exp3A = math.exp %min3A_63 : vector<4x8192xf32>
    %mul3A_71 = arith.mulf %exp3A, %add3A_50 : vector<4x8192xf32>
    %exp3A_72 = math.exp %min3A_66 : vector<4x8192xf32>
    %mul3A_73 = arith.mulf %exp3A_72, %add3A_54 : vector<4x8192xf32>
    %sub3A_74 = arith.constant 1.000000e+00 : f32
    %sub3A_75 = vector.broadcast %sub3A_74 : f32 to vector<4x8192xf32>
    %sub3A_76 = arith.subf %mul3A_71, %sub3A_75 : vector<4x8192xf32>
    %mul3A_77 = arith.constant 5.000000e-01 : f32
    %mul3A_78 = vector.broadcast %mul3A_77 : f32 to vector<4x8192xf32>
    %mul3A_79 = arith.mulf %mul3A_78, %sub3A_76 : vector<4x8192xf32>
    %sub3A_80 = arith.subf %add3A_68, %mul3A_79 : vector<4x8192xf32>
    %jit3A = arith.constant 0.000000e+00 : f32
    %jit3A_81 = arith.constant 4.150000e+02 : f32
    %max3A = vector.broadcast %jit3A : f32 to vector<4x8192xf32>
    %max3A_82 = arith.maximumf %max3A, %sub3A_80 : vector<4x8192xf32>
    %min3A_83 = vector.broadcast %jit3A_81 : f32 to vector<4x8192xf32>
    %min3A_84 = arith.minimumf %min3A_83, %max3A_82 : vector<4x8192xf32>
    %swap3A_85 = arith.constant 0 : index
    %swap3A_86 = arith.constant 0 : index
    %swap3A_87 = arith.constant 0 : index
    %swap3A_88 = vector.load %arg3[%swap3A_85, %swap3A_86, %swap3A_87] : memref<4x5x8192xf32, #tpu.memory_space<vmem>>, vector<4x1x8192xf32>
    %swap3A_89 = vector.shape_cast %swap3A_88 : vector<4x1x8192xf32> to vector<4x8192xf32>
    %swap3A_90 = vector.shape_cast %min3A_84 : vector<4x8192xf32> to vector<4x1x8192xf32>
    tpu.vector_store %arg3[%swap3A_85, %swap3A_86, %swap3A_87], %swap3A_90 {strides = array<i32>} : memref<4x5x8192xf32, #tpu.memory_space<vmem>>, vector<4x1x8192xf32>,
    %sub3A_91 = arith.constant 1.000000e+00 : f32
    %sub3A_92 = vector.broadcast %sub3A_91 : f32 to vector<4x8192xf32>
    %sub3A_93 = arith.subf %mul3A_73, %sub3A_92 : vector<4x8192xf32>
    %mul3A_94 = arith.constant 5.000000e-01 : f32
    %mul3A_95 = vector.broadcast %mul3A_94 : f32 to vector<4x8192xf32>
    %mul3A_96 = arith.mulf %mul3A_95, %sub3A_93 : vector<4x8192xf32>
    %sub3A_97 = arith.subf %add3A_70, %mul3A_96 : vector<4x8192xf32>
    %jit3A_98 = arith.constant 0.000000e+00 : f32
    %jit3A_99 = arith.constant 4.150000e+02 : f32
    %max3A_100 = vector.broadcast %jit3A_98 : f32 to vector<4x8192xf32>
    %max3A_101 = arith.maximumf %max3A_100, %sub3A_97 : vector<4x8192xf32>
    %min3A_102 = vector.broadcast %jit3A_99 : f32 to vector<4x8192xf32>
    %min3A_103 = arith.minimumf %min3A_102, %max3A_101 : vector<4x8192xf32>
    %swap3A_104 = arith.constant 0 : index
    %swap3A_105 = arith.constant 1 : index
    %swap3A_106 = arith.constant 0 : index
    %swap3A_107 = vector.load %arg3[%swap3A_104, %swap3A_105, %swap3A_106] : memref<4x5x8192xf32, #tpu.memory_space<vmem>>, vector<4x1x8192xf32>
    %swap3A_108 = vector.shape_cast %swap3A_107 : vector<4x1x8192xf32> to vector<4x8192xf32>
    %swap3A_109 = vector.shape_cast %min3A_103 : vector<4x8192xf32> to vector<4x1x8192xf32>
    tpu.vector_store %arg3[%swap3A_104, %swap3A_105, %swap3A_106], %swap3A_109 {strides = array<i32>} : memref<4x5x8192xf32, #tpu.memory_space<vmem>>, vector<4x1x8192xf32>,
    %sub3A_110 = arith.constant 1.000000e+00 : f32
    %sub3A_111 = vector.broadcast %sub3A_110 : f32 to vector<4x8192xf32>
    %sub3A_112 = arith.subf %mul3A_71, %sub3A_111 : vector<4x8192xf32>
    %mul3A_113 = arith.constant 5.000000e-01 : f32
    %mul3A_114 = vector.broadcast %mul3A_113 : f32 to vector<4x8192xf32>
    %mul3A_115 = arith.mulf %mul3A_114, %sub3A_112 : vector<4x8192xf32>
    %add3A_116 = arith.addf %add3A_68, %mul3A_115 : vector<4x8192xf32>
    %jit3A_117 = arith.constant 0.000000e+00 : f32
    %jit3A_118 = arith.constant 4.150000e+02 : f32
    %max3A_119 = vector.broadcast %jit3A_117 : f32 to vector<4x8192xf32>
    %max3A_120 = arith.maximumf %max3A_119, %add3A_116 : vector<4x8192xf32>
    %min3A_121 = vector.broadcast %jit3A_118 : f32 to vector<4x8192xf32>
    %min3A_122 = arith.minimumf %min3A_121, %max3A_120 : vector<4x8192xf32>
    %swap3A_123 = arith.constant 0 : index
    %swap3A_124 = arith.constant 2 : index
    %swap3A_125 = arith.constant 0 : index
    %swap3A_126 = vector.load %arg3[%swap3A_123, %swap3A_124, %swap3A_125] : memref<4x5x8192xf32, #tpu.memory_space<vmem>>, vector<4x1x8192xf32>
    %swap3A_127 = vector.shape_cast %swap3A_126 : vector<4x1x8192xf32> to vector<4x8192xf32>
    %swap3A_128 = vector.shape_cast %min3A_122 : vector<4x8192xf32> to vector<4x1x8192xf32>
    tpu.vector_store %arg3[%swap3A_123, %swap3A_124, %swap3A_125], %swap3A_128 {strides = array<i32>} : memref<4x5x8192xf32, #tpu.memory_space<vmem>>, vector<4x1x8192xf32>,
    %sub3A_129 = arith.constant 1.000000e+00 : f32
    %sub3A_130 = vector.broadcast %sub3A_129 : f32 to vector<4x8192xf32>
    %sub3A_131 = arith.subf %mul3A_73, %sub3A_130 : vector<4x8192xf32>
    %mul3A_132 = arith.constant 5.000000e-01 : f32
    %mul3A_133 = vector.broadcast %mul3A_132 : f32 to vector<4x8192xf32>
    %mul3A_134 = arith.mulf %mul3A_133, %sub3A_131 : vector<4x8192xf32>
    %add3A_135 = arith.addf %add3A_70, %mul3A_134 : vector<4x8192xf32>
    %jit3A_136 = arith.constant 0.000000e+00 : f32
    %jit3A_137 = arith.constant 4.150000e+02 : f32
    %max3A_138 = vector.broadcast %jit3A_136 : f32 to vector<4x8192xf32>
    %max3A_139 = arith.maximumf %max3A_138, %add3A_135 : vector<4x8192xf32>
    %min3A_140 = vector.broadcast %jit3A_137 : f32 to vector<4x8192xf32>
    %min3A_141 = arith.minimumf %min3A_140, %max3A_139 : vector<4x8192xf32>
    %swap3A_142 = arith.constant 0 : index
    %swap3A_143 = arith.constant 3 : index
    %swap3A_144 = arith.constant 0 : index
    %swap3A_145 = vector.load %arg3[%swap3A_142, %swap3A_143, %swap3A_144] : memref<4x5x8192xf32, #tpu.memory_space<vmem>>, vector<4x1x8192xf32>
    %swap3A_146 = vector.shape_cast %swap3A_145 : vector<4x1x8192xf32> to vector<4x8192xf32>
    %swap3A_147 = vector.shape_cast %min3A_141 : vector<4x8192xf32> to vector<4x1x8192xf32>
    tpu.vector_store %arg3[%swap3A_142, %swap3A_143, %swap3A_144], %swap3A_147 {strides = array<i32>} : memref<4x5x8192xf32, #tpu.memory_space<vmem>>, vector<4x1x8192xf32>,
    %swap3A_148 = arith.constant 0 : index
    %swap3A_149 = arith.constant 4 : index
    %swap3A_150 = arith.constant 0 : index
    %swap3A_151 = vector.load %arg3[%swap3A_148, %swap3A_149, %swap3A_150] : memref<4x5x8192xf32, #tpu.memory_space<vmem>>, vector<4x1x8192xf32>
    %swap3A_152 = vector.shape_cast %swap3A_151 : vector<4x1x8192xf32> to vector<4x8192xf32>
    %swap3A_153 = vector.shape_cast %logistic3A_6 : vector<4x8192xf32> to vector<4x1x8192xf32>
    tpu.vector_store %arg3[%swap3A_148, %swap3A_149, %swap3A_150], %swap3A_153 {strides = array<i32>} : memref<4x5x8192xf32, #tpu.memory_space<vmem>>, vector<4x1x8192xf32>,
    %broadcast_in_dim3A = arith.constant 0 : i32
    %broadcast_in_dim3A_154 = vector.broadcast %broadcast_in_dim3A : i32 to vector<4x8192xi32>
    %swap3A_155 = arith.constant 0 : index
    %swap3A_156 = arith.constant 0 : index
    %swap3A_157 = vector.load %arg4[%swap3A_155, %swap3A_156] : memref<4x8192xi32, #tpu.memory_space<vmem>>, vector<4x8192xi32>
    tpu.vector_store %arg4[%swap3A_155, %swap3A_156], %broadcast_in_dim3A_154 {strides = array<i32>} : memref<4x8192xi32, #tpu.memory_space<vmem>>, vector<4x8192xi32>,
    %scan3A = arith.constant 0 : i32
    %scan3A_158 = arith.constant 8 : i32
    %scan3A_159 = arith.addi %scan3A, %scan3A_158 : i32
    %scan3A_160 = arith.constant 1 : i32
    scf.for %scan3A_162 = %scan3A to %scan3A_159 step %scan3A_160  : i32 {
      %mul3A_163 = arith.constant 1024 : i32
      %mul3A_164 = arith.muli %scan3A_162, %mul3A_163 : i32
      %get3A_165 = arith.constant 0 : index
      %get3A_166 = arith.index_cast %mul3A_164 : i32 to index
      %get3A_167 = vector.load %arg5[%get3A_165, %get3A_166] : memref<4x8192xf32, #tpu.memory_space<vmem>>, vector<4x1024xf32>
      %broadcast_in_dim3A_168 = vector.shape_cast %get3A_167 : vector<4x1024xf32> to vector<4x1024x1xf32>
      %broadcast_in_dim3A_169 = vector.shape_cast %broadcast_in_dim3A_168 : vector<4x1024x1xf32> to vector<4x1024x1xf32>
      %broadcast_in_dim3A_170 = vector.broadcast %broadcast_in_dim3A_169 : vector<4x1024x1xf32> to vector<4x1024x128xf32>
      %iota3A = tpu.iota {dimensions = array<i32: 1>} : vector<1x1024x1xi32>
      %mul3A_171 = arith.constant 1024 : i32
      %mul3A_172 = arith.muli %scan3A_162, %mul3A_171 : i32
      %add3A_173 = vector.broadcast %mul3A_172 : i32 to vector<1x1024x1xi32>
      %add3A_174 = arith.addi %iota3A, %add3A_173 : vector<1x1024x1xi32>
      %broadcast_in_dim3A_175 = vector.shape_cast %add3A_174 : vector<1x1024x1xi32> to vector<1x1024x1xi32>
      %broadcast_in_dim3A_176 = vector.broadcast %broadcast_in_dim3A_175 : vector<1x1024x1xi32> to vector<1x1024x128xi32>
      %scan3A_177 = arith.constant 0 : i32
      %scan3A_178 = arith.constant 64 : i32
      %scan3A_179 = arith.addi %scan3A_177, %scan3A_178 : i32
      %scan3A_180 = arith.constant 1 : i32
      scf.for %scan3A_182 = %scan3A_177 to %scan3A_179 step %scan3A_180  : i32 {
        %mul3A_183 = arith.constant 128 : i32
        %mul3A_184 = arith.muli %scan3A_182, %mul3A_183 : i32
        %get3A_185 = arith.constant 0 : index
        %get3A_186 = arith.index_cast %mul3A_184 : i32 to index
        %get3A_187 = vector.load %arg5[%get3A_185, %get3A_186] : memref<4x8192xf32, #tpu.memory_space<vmem>>, vector<4x128xf32>
        %broadcast_in_dim3A_188 = vector.shape_cast %get3A_187 : vector<4x128xf32> to vector<4x1x128xf32>
        %iota3A_189 = tpu.iota {dimensions = array<i32: 2>} : vector<1x1x128xi32>
        %mul3A_190 = arith.constant 128 : i32
        %mul3A_191 = arith.muli %scan3A_182, %mul3A_190 : i32
        %add3A_192 = vector.broadcast %mul3A_191 : i32 to vector<1x1x128xi32>
        %add3A_193 = arith.addi %iota3A_189, %add3A_192 : vector<1x1x128xi32>
        %gt3A = vector.broadcast %broadcast_in_dim3A_188 : vector<4x1x128xf32> to vector<4x1024x128xf32>
        %gt3A_194 = arith.cmpf ogt, %broadcast_in_dim3A_170, %gt3A : vector<4x1024x128xf32>
        %eq3A = vector.broadcast %broadcast_in_dim3A_188 : vector<4x1x128xf32> to vector<4x1024x128xf32>
        %eq3A_195 = arith.cmpf oeq, %broadcast_in_dim3A_170, %eq3A : vector<4x1024x128xf32>
        %lt3A = vector.broadcast %add3A_193 : vector<1x1x128xi32> to vector<1x1024x128xi32>
        %lt3A_196 = arith.cmpi slt, %broadcast_in_dim3A_176, %lt3A : vector<1x1024x128xi32>
        %and3A = vector.broadcast %lt3A_196 : vector<1x1024x128xi1> to vector<4x1024x128xi1>
        %and3A_197 = arith.andi %eq3A_195, %and3A : vector<4x1024x128xi1>
        %or3A = arith.ori %gt3A_194, %and3A_197 : vector<4x1024x128xi1>
        %mul3A_198 = arith.constant 128 : i32
        %mul3A_199 = arith.muli %scan3A_182, %mul3A_198 : i32
        %get3A_200 = arith.constant 0 : index
        %get3A_201 = arith.index_cast %mul3A_199 : i32 to index
        %get3A_202 = vector.load %arg4[%get3A_200, %get3A_201] : memref<4x8192xi32, #tpu.memory_space<vmem>>, vector<4x128xi32>
        %convert_element_type3A = arith.extui %or3A : vector<4x1024x128xi1> to vector<4x1024x128xi32>
        %reduce_sum3A = arith.constant dense<0> : vector<4x128xi32>
        %reduce_sum3A_203 = vector.multi_reduction <add>, %convert_element_type3A, %reduce_sum3A [1] : vector<4x1024x128xi32> to vector<4x128xi32>
        %add3A_204 = arith.addi %get3A_202, %reduce_sum3A_203 : vector<4x128xi32>
        %swap3A_205 = arith.constant 0 : index
        %swap3A_206 = arith.index_cast %mul3A_199 : i32 to index
        %swap3A_207 = vector.load %arg4[%swap3A_205, %swap3A_206] : memref<4x8192xi32, #tpu.memory_space<vmem>>, vector<4x128xi32>
        tpu.vector_store %arg4[%swap3A_205, %swap3A_206], %add3A_204 {strides = array<i32>} : memref<4x8192xi32, #tpu.memory_space<vmem>>, vector<4x128xi32>,
      }
      %scan3A_181 = arith.constant 64 : i32
    }
    %scan3A_161 = arith.constant 8 : i32
    return
  }
}

module attributes {stable_mosaic.version = 14 : i64} {
  func.func @_stage_c_body(%arg0: memref<4x5x6016xf32, #tpu.memory_space<vmem>>, %arg1: memref<4x6016xi32, #tpu.memory_space<vmem>>, %arg2: memref<4x6016xi32, #tpu.memory_space<vmem>>, %arg3: memref<4x6016xf32, #tpu.memory_space<vmem>>, %arg4: memref<4x6016xf32, #tpu.memory_space<vmem>>, %arg5: memref<4x128x128xf32, #tpu.memory_space<vmem>>, %arg6: memref<4x5x6016xf32, #tpu.memory_space<vmem>>) attributes {dimension_semantics = [], scalar_prefetch = 0 : i64, scratch_operands = 4 : i64, tpu.core_type = #tpu.core_type<tc>} {
    %get3A = arith.constant 0 : index
    %get3A_0 = arith.constant 0 : index
    %get3A_1 = arith.constant 0 : index
    %get3A_2 = vector.load %arg0[%get3A, %get3A_0, %get3A_1] : memref<4x5x6016xf32, #tpu.memory_space<vmem>>, vector<4x1x6016xf32>
    %get3A_3 = vector.shape_cast %get3A_2 : vector<4x1x6016xf32> to vector<4x6016xf32>
    %get3A_4 = arith.constant 0 : index
    %get3A_5 = arith.constant 1 : index
    %get3A_6 = arith.constant 0 : index
    %get3A_7 = vector.load %arg0[%get3A_4, %get3A_5, %get3A_6] : memref<4x5x6016xf32, #tpu.memory_space<vmem>>, vector<4x1x6016xf32>
    %get3A_8 = vector.shape_cast %get3A_7 : vector<4x1x6016xf32> to vector<4x6016xf32>
    %get3A_9 = arith.constant 0 : index
    %get3A_10 = arith.constant 2 : index
    %get3A_11 = arith.constant 0 : index
    %get3A_12 = vector.load %arg0[%get3A_9, %get3A_10, %get3A_11] : memref<4x5x6016xf32, #tpu.memory_space<vmem>>, vector<4x1x6016xf32>
    %get3A_13 = vector.shape_cast %get3A_12 : vector<4x1x6016xf32> to vector<4x6016xf32>
    %get3A_14 = arith.constant 0 : index
    %get3A_15 = arith.constant 3 : index
    %get3A_16 = arith.constant 0 : index
    %get3A_17 = vector.load %arg0[%get3A_14, %get3A_15, %get3A_16] : memref<4x5x6016xf32, #tpu.memory_space<vmem>>, vector<4x1x6016xf32>
    %get3A_18 = vector.shape_cast %get3A_17 : vector<4x1x6016xf32> to vector<4x6016xf32>
    %sub3A = arith.subf %get3A_13, %get3A_3 : vector<4x6016xf32>
    %add3A = arith.constant 1.000000e+00 : f32
    %add3A_19 = vector.broadcast %add3A : f32 to vector<4x6016xf32>
    %add3A_20 = arith.addf %sub3A, %add3A_19 : vector<4x6016xf32>
    %sub3A_21 = arith.subf %get3A_18, %get3A_8 : vector<4x6016xf32>
    %add3A_22 = arith.constant 1.000000e+00 : f32
    %add3A_23 = vector.broadcast %add3A_22 : f32 to vector<4x6016xf32>
    %add3A_24 = arith.addf %sub3A_21, %add3A_23 : vector<4x6016xf32>
    %mul3A = arith.mulf %add3A_20, %add3A_24 : vector<4x6016xf32>
    %swap3A = arith.constant 0 : index
    %swap3A_25 = arith.constant 0 : index
    %swap3A_26 = vector.load %arg4[%swap3A, %swap3A_25] : memref<4x6016xf32, #tpu.memory_space<vmem>>, vector<4x6016xf32>
    tpu.vector_store %arg4[%swap3A, %swap3A_25], %mul3A {strides = array<i32>} : memref<4x6016xf32, #tpu.memory_space<vmem>>, vector<4x6016xf32>,
    %iota3A = tpu.iota {dimensions = array<i32: 1>} : vector<4x6016xi32>
    %lt3A = arith.constant 6000 : i32
    %lt3A_27 = vector.broadcast %lt3A : i32 to vector<4x6016xi32>
    %lt3A_28 = arith.cmpi slt, %iota3A, %lt3A_27 : vector<4x6016xi32>
    %convert_element_type3A = arith.extui %lt3A_28 : vector<4x6016xi1> to vector<4x6016xi32>
    %convert_element_type3A_29 = arith.sitofp %convert_element_type3A : vector<4x6016xi32> to vector<4x6016xf32>
    %swap3A_30 = arith.constant 0 : index
    %swap3A_31 = arith.constant 0 : index
    %swap3A_32 = vector.load %arg3[%swap3A_30, %swap3A_31] : memref<4x6016xf32, #tpu.memory_space<vmem>>, vector<4x6016xf32>
    tpu.vector_store %arg3[%swap3A_30, %swap3A_31], %convert_element_type3A_29 {strides = array<i32>} : memref<4x6016xf32, #tpu.memory_space<vmem>>, vector<4x6016xf32>,
    %broadcast_in_dim3A = arith.constant 1.000000e+00 : f32
    %broadcast_in_dim3A_33 = vector.broadcast %broadcast_in_dim3A : f32 to vector<4x1x128xf32>
    %scan3A = arith.constant 0 : i32
    %scan3A_34 = arith.constant 47 : i32
    %scan3A_35 = arith.addi %scan3A, %scan3A_34 : i32
    %scan3A_36 = arith.constant 1 : i32
    scf.for %scan3A_51 = %scan3A to %scan3A_35 step %scan3A_36  : i32 {
      %mul3A_52 = arith.constant 128 : i32
      %mul3A_53 = arith.muli %scan3A_51, %mul3A_52 : i32
      %get3A_54 = arith.constant 0 : index
      %get3A_55 = arith.constant 0 : index
      %get3A_56 = arith.index_cast %mul3A_53 : i32 to index
      %get3A_57 = vector.load %arg0[%get3A_54, %get3A_55, %get3A_56] : memref<4x5x6016xf32, #tpu.memory_space<vmem>>, vector<4x1x128xf32>
      %get3A_58 = vector.shape_cast %get3A_57 : vector<4x1x128xf32> to vector<4x128xf32>
      %get3A_59 = arith.constant 0 : index
      %get3A_60 = arith.constant 1 : index
      %get3A_61 = arith.index_cast %mul3A_53 : i32 to index
      %get3A_62 = vector.load %arg0[%get3A_59, %get3A_60, %get3A_61] : memref<4x5x6016xf32, #tpu.memory_space<vmem>>, vector<4x1x128xf32>
      %get3A_63 = vector.shape_cast %get3A_62 : vector<4x1x128xf32> to vector<4x128xf32>
      %get3A_64 = arith.constant 0 : index
      %get3A_65 = arith.constant 2 : index
      %get3A_66 = arith.index_cast %mul3A_53 : i32 to index
      %get3A_67 = vector.load %arg0[%get3A_64, %get3A_65, %get3A_66] : memref<4x5x6016xf32, #tpu.memory_space<vmem>>, vector<4x1x128xf32>
      %get3A_68 = vector.shape_cast %get3A_67 : vector<4x1x128xf32> to vector<4x128xf32>
      %get3A_69 = arith.constant 0 : index
      %get3A_70 = arith.constant 3 : index
      %get3A_71 = arith.index_cast %mul3A_53 : i32 to index
      %get3A_72 = vector.load %arg0[%get3A_69, %get3A_70, %get3A_71] : memref<4x5x6016xf32, #tpu.memory_space<vmem>>, vector<4x1x128xf32>
      %get3A_73 = vector.shape_cast %get3A_72 : vector<4x1x128xf32> to vector<4x128xf32>
      %get3A_74 = arith.constant 0 : index
      %get3A_75 = arith.index_cast %mul3A_53 : i32 to index
      %get3A_76 = vector.load %arg4[%get3A_74, %get3A_75] : memref<4x6016xf32, #tpu.memory_space<vmem>>, vector<4x128xf32>
      %broadcast_in_dim3A_77 = vector.shape_cast %get3A_58 : vector<4x128xf32> to vector<4x128x1xf32>
      %broadcast_in_dim3A_78 = vector.shape_cast %broadcast_in_dim3A_77 : vector<4x128x1xf32> to vector<4x128x1xf32>
      %broadcast_in_dim3A_79 = vector.broadcast %broadcast_in_dim3A_78 : vector<4x128x1xf32> to vector<4x128x128xf32>
      %broadcast_in_dim3A_80 = vector.shape_cast %get3A_63 : vector<4x128xf32> to vector<4x128x1xf32>
      %broadcast_in_dim3A_81 = vector.shape_cast %broadcast_in_dim3A_80 : vector<4x128x1xf32> to vector<4x128x1xf32>
      %broadcast_in_dim3A_82 = vector.broadcast %broadcast_in_dim3A_81 : vector<4x128x1xf32> to vector<4x128x128xf32>
      %broadcast_in_dim3A_83 = vector.shape_cast %get3A_68 : vector<4x128xf32> to vector<4x128x1xf32>
      %broadcast_in_dim3A_84 = vector.shape_cast %broadcast_in_dim3A_83 : vector<4x128x1xf32> to vector<4x128x1xf32>
      %broadcast_in_dim3A_85 = vector.broadcast %broadcast_in_dim3A_84 : vector<4x128x1xf32> to vector<4x128x128xf32>
      %broadcast_in_dim3A_86 = vector.shape_cast %get3A_73 : vector<4x128xf32> to vector<4x128x1xf32>
      %broadcast_in_dim3A_87 = vector.shape_cast %broadcast_in_dim3A_86 : vector<4x128x1xf32> to vector<4x128x1xf32>
      %broadcast_in_dim3A_88 = vector.broadcast %broadcast_in_dim3A_87 : vector<4x128x1xf32> to vector<4x128x128xf32>
      %broadcast_in_dim3A_89 = vector.shape_cast %get3A_76 : vector<4x128xf32> to vector<4x128x1xf32>
      %broadcast_in_dim3A_90 = vector.shape_cast %broadcast_in_dim3A_89 : vector<4x128x1xf32> to vector<4x128x1xf32>
      %broadcast_in_dim3A_91 = vector.broadcast %broadcast_in_dim3A_90 : vector<4x128x1xf32> to vector<4x128x128xf32>
      %broadcast_in_dim3A_92 = arith.constant 0.000000e+00 : f32
      %broadcast_in_dim3A_93 = vector.broadcast %broadcast_in_dim3A_92 : f32 to vector<4x128x128xf32>
      %while3A = arith.constant 0 : i32
      %while3A_94 = arith.subi %scan3A_51, %while3A : i32
      %while3A_95 = arith.addi %while3A, %while3A_94 : i32
      %while3A_96 = arith.constant 1 : i32
      %while3A_97 = arith.divsi %while3A_94, %while3A_96 : i32
      %while3A_98 = arith.muli %while3A_97, %while3A_96 : i32
      %while3A_99 = arith.addi %while3A, %while3A_98 : i32
      %while3A_100 = arith.constant 1 : i32
      %while3A_101 = scf.for %while3A_243 = %while3A to %while3A_99 step %while3A_100 iter_args(%while3A_244 = %broadcast_in_dim3A_93) -> (vector<4x128x128xf32>)  : i32 {
        %mul3A_245 = arith.constant 128 : i32
        %mul3A_246 = arith.muli %while3A_243, %mul3A_245 : i32
        %get3A_247 = arith.constant 0 : index
        %get3A_248 = arith.constant 0 : index
        %get3A_249 = arith.index_cast %mul3A_246 : i32 to index
        %get3A_250 = vector.load %arg6[%get3A_247, %get3A_248, %get3A_249] : memref<4x5x6016xf32, #tpu.memory_space<vmem>>, vector<4x1x128xf32>
        %get3A_251 = vector.shape_cast %get3A_250 : vector<4x1x128xf32> to vector<4x128xf32>
        %broadcast_in_dim3A_252 = vector.shape_cast %get3A_251 : vector<4x128xf32> to vector<4x1x128xf32>
        %get3A_253 = arith.constant 0 : index
        %get3A_254 = arith.constant 1 : index
        %get3A_255 = arith.index_cast %mul3A_246 : i32 to index
        %get3A_256 = vector.load %arg6[%get3A_253, %get3A_254, %get3A_255] : memref<4x5x6016xf32, #tpu.memory_space<vmem>>, vector<4x1x128xf32>
        %get3A_257 = vector.shape_cast %get3A_256 : vector<4x1x128xf32> to vector<4x128xf32>
        %broadcast_in_dim3A_258 = vector.shape_cast %get3A_257 : vector<4x128xf32> to vector<4x1x128xf32>
        %get3A_259 = arith.constant 0 : index
        %get3A_260 = arith.constant 2 : index
        %get3A_261 = arith.index_cast %mul3A_246 : i32 to index
        %get3A_262 = vector.load %arg6[%get3A_259, %get3A_260, %get3A_261] : memref<4x5x6016xf32, #tpu.memory_space<vmem>>, vector<4x1x128xf32>
        %get3A_263 = vector.shape_cast %get3A_262 : vector<4x1x128xf32> to vector<4x128xf32>
        %broadcast_in_dim3A_264 = vector.shape_cast %get3A_263 : vector<4x128xf32> to vector<4x1x128xf32>
        %get3A_265 = arith.constant 0 : index
        %get3A_266 = arith.constant 3 : index
        %get3A_267 = arith.index_cast %mul3A_246 : i32 to index
        %get3A_268 = vector.load %arg6[%get3A_265, %get3A_266, %get3A_267] : memref<4x5x6016xf32, #tpu.memory_space<vmem>>, vector<4x1x128xf32>
        %get3A_269 = vector.shape_cast %get3A_268 : vector<4x1x128xf32> to vector<4x128xf32>
        %broadcast_in_dim3A_270 = vector.shape_cast %get3A_269 : vector<4x128xf32> to vector<4x1x128xf32>
        %get3A_271 = arith.constant 0 : index
        %get3A_272 = arith.constant 4 : index
        %get3A_273 = arith.index_cast %mul3A_246 : i32 to index
        %get3A_274 = vector.load %arg6[%get3A_271, %get3A_272, %get3A_273] : memref<4x5x6016xf32, #tpu.memory_space<vmem>>, vector<4x1x128xf32>
        %get3A_275 = vector.shape_cast %get3A_274 : vector<4x1x128xf32> to vector<4x128xf32>
        %broadcast_in_dim3A_276 = vector.shape_cast %get3A_275 : vector<4x128xf32> to vector<4x1x128xf32>
        %min3A_277 = vector.broadcast %broadcast_in_dim3A_264 : vector<4x1x128xf32> to vector<4x128x128xf32>
        %min3A_278 = arith.minimumf %broadcast_in_dim3A_85, %min3A_277 : vector<4x128x128xf32>
        %max3A_279 = vector.broadcast %broadcast_in_dim3A_252 : vector<4x1x128xf32> to vector<4x128x128xf32>
        %max3A_280 = arith.maximumf %broadcast_in_dim3A_79, %max3A_279 : vector<4x128x128xf32>
        %sub3A_281 = arith.subf %min3A_278, %max3A_280 : vector<4x128x128xf32>
        %add3A_282 = arith.constant 1.000000e+00 : f32
        %add3A_283 = vector.broadcast %add3A_282 : f32 to vector<4x128x128xf32>
        %add3A_284 = arith.addf %sub3A_281, %add3A_283 : vector<4x128x128xf32>
        %max3A_285 = arith.constant 0.000000e+00 : f32
        %max3A_286 = vector.broadcast %max3A_285 : f32 to vector<4x128x128xf32>
        %max3A_287 = arith.maximumf %add3A_284, %max3A_286 : vector<4x128x128xf32>
        %min3A_288 = vector.broadcast %broadcast_in_dim3A_270 : vector<4x1x128xf32> to vector<4x128x128xf32>
        %min3A_289 = arith.minimumf %broadcast_in_dim3A_88, %min3A_288 : vector<4x128x128xf32>
        %max3A_290 = vector.broadcast %broadcast_in_dim3A_258 : vector<4x1x128xf32> to vector<4x128x128xf32>
        %max3A_291 = arith.maximumf %broadcast_in_dim3A_82, %max3A_290 : vector<4x128x128xf32>
        %sub3A_292 = arith.subf %min3A_289, %max3A_291 : vector<4x128x128xf32>
        %add3A_293 = arith.constant 1.000000e+00 : f32
        %add3A_294 = vector.broadcast %add3A_293 : f32 to vector<4x128x128xf32>
        %add3A_295 = arith.addf %sub3A_292, %add3A_294 : vector<4x128x128xf32>
        %max3A_296 = arith.constant 0.000000e+00 : f32
        %max3A_297 = vector.broadcast %max3A_296 : f32 to vector<4x128x128xf32>
        %max3A_298 = arith.maximumf %add3A_295, %max3A_297 : vector<4x128x128xf32>
        %mul3A_299 = arith.mulf %max3A_287, %max3A_298 : vector<4x128x128xf32>
        %add3A_300 = vector.broadcast %broadcast_in_dim3A_276 : vector<4x1x128xf32> to vector<4x128x128xf32>
        %add3A_301 = arith.addf %broadcast_in_dim3A_91, %add3A_300 : vector<4x128x128xf32>
        %sub3A_302 = arith.subf %add3A_301, %mul3A_299 : vector<4x128x128xf32>
        %div3A_303 = arith.divf %mul3A_299, %sub3A_302 : vector<4x128x128xf32>
        %max3A_304 = arith.maximumf %while3A_244, %div3A_303 : vector<4x128x128xf32>
        scf.yield %max3A_304 : vector<4x128x128xf32>
      }
      %while3A_102 = arith.constant 1 : i32
      %while3A_103 = scf.for %while3A_243 = %while3A_99 to %while3A_95 step %while3A_102 iter_args(%while3A_244 = %while3A_101) -> (vector<4x128x128xf32>)  : i32 {
        %mul3A_245 = arith.constant 128 : i32
        %mul3A_246 = arith.muli %while3A_243, %mul3A_245 : i32
        %get3A_247 = arith.constant 0 : index
        %get3A_248 = arith.constant 0 : index
        %get3A_249 = arith.index_cast %mul3A_246 : i32 to index
        %get3A_250 = vector.load %arg6[%get3A_247, %get3A_248, %get3A_249] : memref<4x5x6016xf32, #tpu.memory_space<vmem>>, vector<4x1x128xf32>
        %get3A_251 = vector.shape_cast %get3A_250 : vector<4x1x128xf32> to vector<4x128xf32>
        %broadcast_in_dim3A_252 = vector.shape_cast %get3A_251 : vector<4x128xf32> to vector<4x1x128xf32>
        %get3A_253 = arith.constant 0 : index
        %get3A_254 = arith.constant 1 : index
        %get3A_255 = arith.index_cast %mul3A_246 : i32 to index
        %get3A_256 = vector.load %arg6[%get3A_253, %get3A_254, %get3A_255] : memref<4x5x6016xf32, #tpu.memory_space<vmem>>, vector<4x1x128xf32>
        %get3A_257 = vector.shape_cast %get3A_256 : vector<4x1x128xf32> to vector<4x128xf32>
        %broadcast_in_dim3A_258 = vector.shape_cast %get3A_257 : vector<4x128xf32> to vector<4x1x128xf32>
        %get3A_259 = arith.constant 0 : index
        %get3A_260 = arith.constant 2 : index
        %get3A_261 = arith.index_cast %mul3A_246 : i32 to index
        %get3A_262 = vector.load %arg6[%get3A_259, %get3A_260, %get3A_261] : memref<4x5x6016xf32, #tpu.memory_space<vmem>>, vector<4x1x128xf32>
        %get3A_263 = vector.shape_cast %get3A_262 : vector<4x1x128xf32> to vector<4x128xf32>
        %broadcast_in_dim3A_264 = vector.shape_cast %get3A_263 : vector<4x128xf32> to vector<4x1x128xf32>
        %get3A_265 = arith.constant 0 : index
        %get3A_266 = arith.constant 3 : index
        %get3A_267 = arith.index_cast %mul3A_246 : i32 to index
        %get3A_268 = vector.load %arg6[%get3A_265, %get3A_266, %get3A_267] : memref<4x5x6016xf32, #tpu.memory_space<vmem>>, vector<4x1x128xf32>
        %get3A_269 = vector.shape_cast %get3A_268 : vector<4x1x128xf32> to vector<4x128xf32>
        %broadcast_in_dim3A_270 = vector.shape_cast %get3A_269 : vector<4x128xf32> to vector<4x1x128xf32>
        %get3A_271 = arith.constant 0 : index
        %get3A_272 = arith.constant 4 : index
        %get3A_273 = arith.index_cast %mul3A_246 : i32 to index
        %get3A_274 = vector.load %arg6[%get3A_271, %get3A_272, %get3A_273] : memref<4x5x6016xf32, #tpu.memory_space<vmem>>, vector<4x1x128xf32>
        %get3A_275 = vector.shape_cast %get3A_274 : vector<4x1x128xf32> to vector<4x128xf32>
        %broadcast_in_dim3A_276 = vector.shape_cast %get3A_275 : vector<4x128xf32> to vector<4x1x128xf32>
        %min3A_277 = vector.broadcast %broadcast_in_dim3A_264 : vector<4x1x128xf32> to vector<4x128x128xf32>
        %min3A_278 = arith.minimumf %broadcast_in_dim3A_85, %min3A_277 : vector<4x128x128xf32>
        %max3A_279 = vector.broadcast %broadcast_in_dim3A_252 : vector<4x1x128xf32> to vector<4x128x128xf32>
        %max3A_280 = arith.maximumf %broadcast_in_dim3A_79, %max3A_279 : vector<4x128x128xf32>
        %sub3A_281 = arith.subf %min3A_278, %max3A_280 : vector<4x128x128xf32>
        %add3A_282 = arith.constant 1.000000e+00 : f32
        %add3A_283 = vector.broadcast %add3A_282 : f32 to vector<4x128x128xf32>
        %add3A_284 = arith.addf %sub3A_281, %add3A_283 : vector<4x128x128xf32>
        %max3A_285 = arith.constant 0.000000e+00 : f32
        %max3A_286 = vector.broadcast %max3A_285 : f32 to vector<4x128x128xf32>
        %max3A_287 = arith.maximumf %add3A_284, %max3A_286 : vector<4x128x128xf32>
        %min3A_288 = vector.broadcast %broadcast_in_dim3A_270 : vector<4x1x128xf32> to vector<4x128x128xf32>
        %min3A_289 = arith.minimumf %broadcast_in_dim3A_88, %min3A_288 : vector<4x128x128xf32>
        %max3A_290 = vector.broadcast %broadcast_in_dim3A_258 : vector<4x1x128xf32> to vector<4x128x128xf32>
        %max3A_291 = arith.maximumf %broadcast_in_dim3A_82, %max3A_290 : vector<4x128x128xf32>
        %sub3A_292 = arith.subf %min3A_289, %max3A_291 : vector<4x128x128xf32>
        %add3A_293 = arith.constant 1.000000e+00 : f32
        %add3A_294 = vector.broadcast %add3A_293 : f32 to vector<4x128x128xf32>
        %add3A_295 = arith.addf %sub3A_292, %add3A_294 : vector<4x128x128xf32>
        %max3A_296 = arith.constant 0.000000e+00 : f32
        %max3A_297 = vector.broadcast %max3A_296 : f32 to vector<4x128x128xf32>
        %max3A_298 = arith.maximumf %add3A_295, %max3A_297 : vector<4x128x128xf32>
        %mul3A_299 = arith.mulf %max3A_287, %max3A_298 : vector<4x128x128xf32>
        %add3A_300 = vector.broadcast %broadcast_in_dim3A_276 : vector<4x1x128xf32> to vector<4x128x128xf32>
        %add3A_301 = arith.addf %broadcast_in_dim3A_91, %add3A_300 : vector<4x128x128xf32>
        %sub3A_302 = arith.subf %add3A_301, %mul3A_299 : vector<4x128x128xf32>
        %div3A_303 = arith.divf %mul3A_299, %sub3A_302 : vector<4x128x128xf32>
        %max3A_304 = arith.maximumf %while3A_244, %div3A_303 : vector<4x128x128xf32>
        scf.yield %max3A_304 : vector<4x128x128xf32>
      }
      %reduce_max3A = arith.constant dense<0xFF800000> : vector<4x128xf32>
      %reduce_max3A_104 = vector.multi_reduction <maximumf>, %while3A_103, %reduce_max3A [2] : vector<4x128x128xf32> to vector<4x128xf32>
      %gt3A = arith.constant 4.500000e-01 : f32
      %gt3A_105 = vector.broadcast %gt3A : f32 to vector<4x128xf32>
      %gt3A_106 = arith.cmpf ogt, %reduce_max3A_104, %gt3A_105 : vector<4x128xf32>
      %convert_element_type3A_107 = arith.extui %gt3A_106 : vector<4x128xi1> to vector<4x128xi32>
      %convert_element_type3A_108 = arith.sitofp %convert_element_type3A_107 : vector<4x128xi32> to vector<4x128xf32>
      %get3A_109 = arith.constant 0 : index
      %get3A_110 = arith.index_cast %mul3A_53 : i32 to index
      %get3A_111 = vector.load %arg3[%get3A_109, %get3A_110] : memref<4x6016xf32, #tpu.memory_space<vmem>>, vector<4x128xf32>
      %sub3A_112 = arith.constant 1.000000e+00 : f32
      %sub3A_113 = vector.broadcast %sub3A_112 : f32 to vector<4x128xf32>
      %sub3A_114 = arith.subf %sub3A_113, %convert_element_type3A_108 : vector<4x128xf32>
      %mul3A_115 = arith.mulf %get3A_111, %sub3A_114 : vector<4x128xf32>
      %broadcast_in_dim3A_116 = vector.shape_cast %get3A_58 : vector<4x128xf32> to vector<4x128x1xf32>
      %broadcast_in_dim3A_117 = vector.shape_cast %get3A_58 : vector<4x128xf32> to vector<4x1x128xf32>
      %max3A = vector.broadcast %broadcast_in_dim3A_116 : vector<4x128x1xf32> to vector<4x128x128xf32>
      %max3A_118 = vector.broadcast %broadcast_in_dim3A_117 : vector<4x1x128xf32> to vector<4x128x128xf32>
      %max3A_119 = arith.maximumf %max3A, %max3A_118 : vector<4x128x128xf32>
      %broadcast_in_dim3A_120 = vector.shape_cast %get3A_63 : vector<4x128xf32> to vector<4x128x1xf32>
      %broadcast_in_dim3A_121 = vector.shape_cast %get3A_63 : vector<4x128xf32> to vector<4x1x128xf32>
      %max3A_122 = vector.broadcast %broadcast_in_dim3A_120 : vector<4x128x1xf32> to vector<4x128x128xf32>
      %max3A_123 = vector.broadcast %broadcast_in_dim3A_121 : vector<4x1x128xf32> to vector<4x128x128xf32>
      %max3A_124 = arith.maximumf %max3A_122, %max3A_123 : vector<4x128x128xf32>
      %broadcast_in_dim3A_125 = vector.shape_cast %get3A_68 : vector<4x128xf32> to vector<4x128x1xf32>
      %broadcast_in_dim3A_126 = vector.shape_cast %get3A_68 : vector<4x128xf32> to vector<4x1x128xf32>
      %min3A = vector.broadcast %broadcast_in_dim3A_125 : vector<4x128x1xf32> to vector<4x128x128xf32>
      %min3A_127 = vector.broadcast %broadcast_in_dim3A_126 : vector<4x1x128xf32> to vector<4x128x128xf32>
      %min3A_128 = arith.minimumf %min3A, %min3A_127 : vector<4x128x128xf32>
      %broadcast_in_dim3A_129 = vector.shape_cast %get3A_73 : vector<4x128xf32> to vector<4x128x1xf32>
      %broadcast_in_dim3A_130 = vector.shape_cast %get3A_73 : vector<4x128xf32> to vector<4x1x128xf32>
      %min3A_131 = vector.broadcast %broadcast_in_dim3A_129 : vector<4x128x1xf32> to vector<4x128x128xf32>
      %min3A_132 = vector.broadcast %broadcast_in_dim3A_130 : vector<4x1x128xf32> to vector<4x128x128xf32>
      %min3A_133 = arith.minimumf %min3A_131, %min3A_132 : vector<4x128x128xf32>
      %sub3A_134 = arith.subf %min3A_128, %max3A_119 : vector<4x128x128xf32>
      %add3A_135 = arith.constant 1.000000e+00 : f32
      %add3A_136 = vector.broadcast %add3A_135 : f32 to vector<4x128x128xf32>
      %add3A_137 = arith.addf %sub3A_134, %add3A_136 : vector<4x128x128xf32>
      %max3A_138 = arith.constant 0.000000e+00 : f32
      %max3A_139 = vector.broadcast %max3A_138 : f32 to vector<4x128x128xf32>
      %max3A_140 = arith.maximumf %add3A_137, %max3A_139 : vector<4x128x128xf32>
      %sub3A_141 = arith.subf %min3A_133, %max3A_124 : vector<4x128x128xf32>
      %add3A_142 = arith.constant 1.000000e+00 : f32
      %add3A_143 = vector.broadcast %add3A_142 : f32 to vector<4x128x128xf32>
      %add3A_144 = arith.addf %sub3A_141, %add3A_143 : vector<4x128x128xf32>
      %max3A_145 = arith.constant 0.000000e+00 : f32
      %max3A_146 = vector.broadcast %max3A_145 : f32 to vector<4x128x128xf32>
      %max3A_147 = arith.maximumf %add3A_144, %max3A_146 : vector<4x128x128xf32>
      %mul3A_148 = arith.mulf %max3A_140, %max3A_147 : vector<4x128x128xf32>
      %broadcast_in_dim3A_149 = vector.shape_cast %get3A_76 : vector<4x128xf32> to vector<4x128x1xf32>
      %broadcast_in_dim3A_150 = vector.shape_cast %get3A_76 : vector<4x128xf32> to vector<4x1x128xf32>
      %add3A_151 = vector.broadcast %broadcast_in_dim3A_149 : vector<4x128x1xf32> to vector<4x128x128xf32>
      %add3A_152 = vector.broadcast %broadcast_in_dim3A_150 : vector<4x1x128xf32> to vector<4x128x128xf32>
      %add3A_153 = arith.addf %add3A_151, %add3A_152 : vector<4x128x128xf32>
      %sub3A_154 = arith.subf %add3A_153, %mul3A_148 : vector<4x128x128xf32>
      %div3A = arith.divf %mul3A_148, %sub3A_154 : vector<4x128x128xf32>
      %iota3A_155 = tpu.iota {dimensions = array<i32: 2>} : vector<1x128x128xi32>
      %iota3A_156 = tpu.iota {dimensions = array<i32: 1>} : vector<1x128x128xi32>
      %gt3A_157 = arith.cmpi sgt, %iota3A_155, %iota3A_156 : vector<1x128x128xi32>
      %gt3A_158 = arith.constant 4.500000e-01 : f32
      %gt3A_159 = vector.broadcast %gt3A_158 : f32 to vector<4x128x128xf32>
      %gt3A_160 = arith.cmpf ogt, %div3A, %gt3A_159 : vector<4x128x128xf32>
      %and3A = vector.broadcast %gt3A_157 : vector<1x128x128xi1> to vector<4x128x128xi1>
      %and3A_161 = arith.andi %gt3A_160, %and3A : vector<4x128x128xi1>
      %convert_element_type3A_162 = arith.extui %and3A_161 : vector<4x128x128xi1> to vector<4x128x128xi32>
      %convert_element_type3A_163 = arith.sitofp %convert_element_type3A_162 : vector<4x128x128xi32> to vector<4x128x128xf32>
      %broadcast_in_dim3A_164 = vector.shape_cast %mul3A_115 : vector<4x128xf32> to vector<4x1x128xf32>
      %convert_element_type3A_165 = arith.truncf %broadcast_in_dim3A_164 : vector<4x1x128xf32> to vector<4x1x128xbf16>
      %convert_element_type3A_166 = arith.truncf %broadcast_in_dim3A_33 : vector<4x1x128xf32> to vector<4x1x128xbf16>
      %dot_general3A = arith.constant dense<0.000000e+00> : vector<4x128x128xf32>
      %dot_general3A_167 = tpu.matmul %convert_element_type3A_165, %convert_element_type3A_166, %dot_general3A {dimension_numbers = #tpu.dot_dimension_numbers<[1], [1], [2], [2], [0, 0, 0, 2, 1, 2], [0], [0]>, transpose_lhs_hint = false} : vector<4x1x128xbf16>, vector<4x1x128xbf16>, vector<4x128x128xf32> -> vector<4x128x128xf32>
      %mul3A_168 = arith.mulf %convert_element_type3A_163, %dot_general3A_167 : vector<4x128x128xf32>
      %swap3A_169 = arith.constant 0 : index
      %swap3A_170 = arith.constant 0 : index
      %swap3A_171 = arith.constant 0 : index
      %swap3A_172 = vector.load %arg5[%swap3A_169, %swap3A_170, %swap3A_171] : memref<4x128x128xf32, #tpu.memory_space<vmem>>, vector<4x128x128xf32>
      tpu.vector_store %arg5[%swap3A_169, %swap3A_170, %swap3A_171], %mul3A_168 {strides = array<i32>} : memref<4x128x128xf32, #tpu.memory_space<vmem>>, vector<4x128x128xf32>,
      %get3A_173 = arith.constant 0 : index
      %get3A_174 = arith.constant 0 : index
      %get3A_175 = arith.constant 0 : index
      %get3A_176 = vector.load %arg5[%get3A_173, %get3A_174, %get3A_175] : memref<4x128x128xf32, #tpu.memory_space<vmem>>, vector<4x128x128xf32>
      %reduce_sum3A = vector.shape_cast %get3A_176 : vector<4x128x128xf32> to vector<1x4x128x128xf32>
      %reduce_sum3A_177 = arith.constant dense<0.000000e+00> : vector<1xf32>
      %reduce_sum3A_178 = vector.multi_reduction <add>, %reduce_sum3A, %reduce_sum3A_177 [1, 2, 3] : vector<1x4x128x128xf32> to vector<1xf32>
      %reduce_sum3A_179 = vector.shape_cast %reduce_sum3A_178 : vector<1xf32> to vector<1x1x1x1xf32>
      %reduce_sum3A_180 = vector.extract %reduce_sum3A_179[0, 0, 0, 0] : f32 from vector<1x1x1x1xf32>
      %add3A_181 = arith.constant 1.000000e+00 : f32
      %add3A_182 = arith.addf %reduce_sum3A_180, %add3A_181 : f32
      %while3A_183:2 = scf.while (%while3A_243 = %add3A_182, %while3A_244 = %reduce_sum3A_180) : (f32, f32) -> (f32, f32) {
        %lt3A_245 = arith.cmpf olt, %while3A_244, %while3A_243 : f32
        scf.condition(%lt3A_245) %while3A_243, %while3A_244 : f32, f32
      } do {
      ^bb0(%while3A_243: f32, %while3A_244: f32):
        %get3A_245 = arith.constant 0 : index
        %get3A_246 = arith.constant 0 : index
        %get3A_247 = arith.constant 0 : index
        %get3A_248 = vector.load %arg5[%get3A_245, %get3A_246, %get3A_247] : memref<4x128x128xf32, #tpu.memory_space<vmem>>, vector<4x128x128xf32>
        %reduce_max3A_249 = arith.constant dense<0xFF800000> : vector<4x128xf32>
        %reduce_max3A_250 = vector.multi_reduction <maximumf>, %get3A_248, %reduce_max3A_249 [1] : vector<4x128x128xf32> to vector<4x128xf32>
        %broadcast_in_dim3A_251 = vector.shape_cast %reduce_max3A_250 : vector<4x128xf32> to vector<4x1x128xf32>
        %eq3A = arith.constant 0.000000e+00 : f32
        %eq3A_252 = vector.broadcast %eq3A : f32 to vector<4x1x128xf32>
        %eq3A_253 = arith.cmpf oeq, %broadcast_in_dim3A_251, %eq3A_252 : vector<4x1x128xf32>
        %convert_element_type3A_254 = arith.extui %eq3A_253 : vector<4x1x128xi1> to vector<4x1x128xi32>
        %convert_element_type3A_255 = arith.sitofp %convert_element_type3A_254 : vector<4x1x128xi32> to vector<4x1x128xf32>
        %convert_element_type3A_256 = arith.truncf %convert_element_type3A_255 : vector<4x1x128xf32> to vector<4x1x128xbf16>
        %convert_element_type3A_257 = arith.truncf %broadcast_in_dim3A_33 : vector<4x1x128xf32> to vector<4x1x128xbf16>
        %dot_general3A_258 = arith.constant dense<0.000000e+00> : vector<4x128x128xf32>
        %dot_general3A_259 = tpu.matmul %convert_element_type3A_256, %convert_element_type3A_257, %dot_general3A_258 {dimension_numbers = #tpu.dot_dimension_numbers<[1], [1], [2], [2], [0, 0, 0, 2, 1, 2], [0], [0]>, transpose_lhs_hint = false} : vector<4x1x128xbf16>, vector<4x1x128xbf16>, vector<4x128x128xf32> -> vector<4x128x128xf32>
        %mul3A_260 = arith.mulf %get3A_248, %dot_general3A_259 : vector<4x128x128xf32>
        %reduce_max3A_261 = arith.constant dense<0xFF800000> : vector<4x128xf32>
        %reduce_max3A_262 = vector.multi_reduction <maximumf>, %mul3A_260, %reduce_max3A_261 [1] : vector<4x128x128xf32> to vector<4x128xf32>
        %broadcast_in_dim3A_263 = vector.shape_cast %reduce_max3A_262 : vector<4x128xf32> to vector<4x1x128xf32>
        %convert_element_type3A_264 = arith.truncf %broadcast_in_dim3A_263 : vector<4x1x128xf32> to vector<4x1x128xbf16>
        %convert_element_type3A_265 = arith.truncf %broadcast_in_dim3A_33 : vector<4x1x128xf32> to vector<4x1x128xbf16>
        %dot_general3A_266 = arith.constant dense<0.000000e+00> : vector<4x128x128xf32>
        %dot_general3A_267 = tpu.matmul %convert_element_type3A_264, %convert_element_type3A_265, %dot_general3A_266 {dimension_numbers = #tpu.dot_dimension_numbers<[1], [1], [2], [2], [0, 0, 0, 2, 1, 2], [0], [0]>, transpose_lhs_hint = false} : vector<4x1x128xbf16>, vector<4x1x128xbf16>, vector<4x128x128xf32> -> vector<4x128x128xf32>
        %sub3A_268 = arith.constant 1.000000e+00 : f32
        %sub3A_269 = vector.broadcast %sub3A_268 : f32 to vector<4x128x128xf32>
        %sub3A_270 = arith.subf %sub3A_269, %dot_general3A_267 : vector<4x128x128xf32>
        %mul3A_271 = arith.mulf %get3A_248, %sub3A_270 : vector<4x128x128xf32>
        %swap3A_272 = arith.constant 0 : index
        %swap3A_273 = arith.constant 0 : index
        %swap3A_274 = arith.constant 0 : index
        %swap3A_275 = vector.load %arg5[%swap3A_272, %swap3A_273, %swap3A_274] : memref<4x128x128xf32, #tpu.memory_space<vmem>>, vector<4x128x128xf32>
        tpu.vector_store %arg5[%swap3A_272, %swap3A_273, %swap3A_274], %mul3A_271 {strides = array<i32>} : memref<4x128x128xf32, #tpu.memory_space<vmem>>, vector<4x128x128xf32>,
        %reduce_sum3A_276 = vector.shape_cast %mul3A_271 : vector<4x128x128xf32> to vector<1x4x128x128xf32>
        %reduce_sum3A_277 = arith.constant dense<0.000000e+00> : vector<1xf32>
        %reduce_sum3A_278 = vector.multi_reduction <add>, %reduce_sum3A_276, %reduce_sum3A_277 [1, 2, 3] : vector<1x4x128x128xf32> to vector<1xf32>
        %reduce_sum3A_279 = vector.shape_cast %reduce_sum3A_278 : vector<1xf32> to vector<1x1x1x1xf32>
        %reduce_sum3A_280 = vector.extract %reduce_sum3A_279[0, 0, 0, 0] : f32 from vector<1x1x1x1xf32>
        scf.yield %while3A_244, %reduce_sum3A_280 : f32, f32
      }
      %get3A_184 = arith.constant 0 : index
      %get3A_185 = arith.constant 0 : index
      %get3A_186 = arith.constant 0 : index
      %get3A_187 = vector.load %arg5[%get3A_184, %get3A_185, %get3A_186] : memref<4x128x128xf32, #tpu.memory_space<vmem>>, vector<4x128x128xf32>
      %reduce_max3A_188 = arith.constant dense<0xFF800000> : vector<4x128xf32>
      %reduce_max3A_189 = vector.multi_reduction <maximumf>, %get3A_187, %reduce_max3A_188 [1] : vector<4x128x128xf32> to vector<4x128xf32>
      %sub3A_190 = arith.constant 1.000000e+00 : f32
      %sub3A_191 = vector.broadcast %sub3A_190 : f32 to vector<4x128xf32>
      %sub3A_192 = arith.subf %sub3A_191, %reduce_max3A_189 : vector<4x128xf32>
      %mul3A_193 = arith.mulf %mul3A_115, %sub3A_192 : vector<4x128xf32>
      %swap3A_194 = arith.constant 0 : index
      %swap3A_195 = arith.index_cast %mul3A_53 : i32 to index
      %swap3A_196 = vector.load %arg3[%swap3A_194, %swap3A_195] : memref<4x6016xf32, #tpu.memory_space<vmem>>, vector<4x128xf32>
      tpu.vector_store %arg3[%swap3A_194, %swap3A_195], %mul3A_193 {strides = array<i32>} : memref<4x6016xf32, #tpu.memory_space<vmem>>, vector<4x128xf32>,
      %gt3A_197 = arith.constant 0.000000e+00 : f32
      %gt3A_198 = vector.broadcast %gt3A_197 : f32 to vector<4x128xf32>
      %gt3A_199 = arith.cmpf ogt, %mul3A_193, %gt3A_198 : vector<4x128xf32>
      %jit3A = arith.constant 2.000000e+09 : f32
      %broadcast_in_dim3A_200 = vector.broadcast %jit3A : f32 to vector<4x128xf32>
      %select_n3A = arith.select %gt3A_199, %get3A_58, %broadcast_in_dim3A_200 : vector<4x128xi1>, vector<4x128xf32>
      %swap3A_201 = arith.constant 0 : index
      %swap3A_202 = arith.constant 0 : index
      %swap3A_203 = arith.index_cast %mul3A_53 : i32 to index
      %swap3A_204 = vector.load %arg6[%swap3A_201, %swap3A_202, %swap3A_203] : memref<4x5x6016xf32, #tpu.memory_space<vmem>>, vector<4x1x128xf32>
      %swap3A_205 = vector.shape_cast %swap3A_204 : vector<4x1x128xf32> to vector<4x128xf32>
      %swap3A_206 = vector.shape_cast %select_n3A : vector<4x128xf32> to vector<4x1x128xf32>
      tpu.vector_store %arg6[%swap3A_201, %swap3A_202, %swap3A_203], %swap3A_206 {strides = array<i32>} : memref<4x5x6016xf32, #tpu.memory_space<vmem>>, vector<4x1x128xf32>,
      %jit3A_207 = arith.constant 2.000000e+09 : f32
      %broadcast_in_dim3A_208 = vector.broadcast %jit3A_207 : f32 to vector<4x128xf32>
      %select_n3A_209 = arith.select %gt3A_199, %get3A_63, %broadcast_in_dim3A_208 : vector<4x128xi1>, vector<4x128xf32>
      %swap3A_210 = arith.constant 0 : index
      %swap3A_211 = arith.constant 1 : index
      %swap3A_212 = arith.index_cast %mul3A_53 : i32 to index
      %swap3A_213 = vector.load %arg6[%swap3A_210, %swap3A_211, %swap3A_212] : memref<4x5x6016xf32, #tpu.memory_space<vmem>>, vector<4x1x128xf32>
      %swap3A_214 = vector.shape_cast %swap3A_213 : vector<4x1x128xf32> to vector<4x128xf32>
      %swap3A_215 = vector.shape_cast %select_n3A_209 : vector<4x128xf32> to vector<4x1x128xf32>
      tpu.vector_store %arg6[%swap3A_210, %swap3A_211, %swap3A_212], %swap3A_215 {strides = array<i32>} : memref<4x5x6016xf32, #tpu.memory_space<vmem>>, vector<4x1x128xf32>,
      %jit3A_216 = arith.constant 2.000000e+09 : f32
      %broadcast_in_dim3A_217 = vector.broadcast %jit3A_216 : f32 to vector<4x128xf32>
      %select_n3A_218 = arith.select %gt3A_199, %get3A_68, %broadcast_in_dim3A_217 : vector<4x128xi1>, vector<4x128xf32>
      %swap3A_219 = arith.constant 0 : index
      %swap3A_220 = arith.constant 2 : index
      %swap3A_221 = arith.index_cast %mul3A_53 : i32 to index
      %swap3A_222 = vector.load %arg6[%swap3A_219, %swap3A_220, %swap3A_221] : memref<4x5x6016xf32, #tpu.memory_space<vmem>>, vector<4x1x128xf32>
      %swap3A_223 = vector.shape_cast %swap3A_222 : vector<4x1x128xf32> to vector<4x128xf32>
      %swap3A_224 = vector.shape_cast %select_n3A_218 : vector<4x128xf32> to vector<4x1x128xf32>
      tpu.vector_store %arg6[%swap3A_219, %swap3A_220, %swap3A_221], %swap3A_224 {strides = array<i32>} : memref<4x5x6016xf32, #tpu.memory_space<vmem>>, vector<4x1x128xf32>,
      %jit3A_225 = arith.constant 2.000000e+09 : f32
      %broadcast_in_dim3A_226 = vector.broadcast %jit3A_225 : f32 to vector<4x128xf32>
      %select_n3A_227 = arith.select %gt3A_199, %get3A_73, %broadcast_in_dim3A_226 : vector<4x128xi1>, vector<4x128xf32>
      %swap3A_228 = arith.constant 0 : index
      %swap3A_229 = arith.constant 3 : index
      %swap3A_230 = arith.index_cast %mul3A_53 : i32 to index
      %swap3A_231 = vector.load %arg6[%swap3A_228, %swap3A_229, %swap3A_230] : memref<4x5x6016xf32, #tpu.memory_space<vmem>>, vector<4x1x128xf32>
      %swap3A_232 = vector.shape_cast %swap3A_231 : vector<4x1x128xf32> to vector<4x128xf32>
      %swap3A_233 = vector.shape_cast %select_n3A_227 : vector<4x128xf32> to vector<4x1x128xf32>
      tpu.vector_store %arg6[%swap3A_228, %swap3A_229, %swap3A_230], %swap3A_233 {strides = array<i32>} : memref<4x5x6016xf32, #tpu.memory_space<vmem>>, vector<4x1x128xf32>,
      %jit3A_234 = arith.constant 1.000000e+00 : f32
      %broadcast_in_dim3A_235 = vector.broadcast %jit3A_234 : f32 to vector<4x128xf32>
      %select_n3A_236 = arith.select %gt3A_199, %get3A_76, %broadcast_in_dim3A_235 : vector<4x128xi1>, vector<4x128xf32>
      %swap3A_237 = arith.constant 0 : index
      %swap3A_238 = arith.constant 4 : index
      %swap3A_239 = arith.index_cast %mul3A_53 : i32 to index
      %swap3A_240 = vector.load %arg6[%swap3A_237, %swap3A_238, %swap3A_239] : memref<4x5x6016xf32, #tpu.memory_space<vmem>>, vector<4x1x128xf32>
      %swap3A_241 = vector.shape_cast %swap3A_240 : vector<4x1x128xf32> to vector<4x128xf32>
      %swap3A_242 = vector.shape_cast %select_n3A_236 : vector<4x128xf32> to vector<4x1x128xf32>
      tpu.vector_store %arg6[%swap3A_237, %swap3A_238, %swap3A_239], %swap3A_242 {strides = array<i32>} : memref<4x5x6016xf32, #tpu.memory_space<vmem>>, vector<4x1x128xf32>,
    }
    %scan3A_37 = arith.constant 47 : i32
    %iota3A_38 = tpu.iota {dimensions = array<i32: 0>} : vector<128x128xi32>
    %iota3A_39 = tpu.iota {dimensions = array<i32: 1>} : vector<128x128xi32>
    %le3A = arith.cmpi sle, %iota3A_38, %iota3A_39 : vector<128x128xi32>
    %convert_element_type3A_40 = arith.extui %le3A : vector<128x128xi1> to vector<128x128xi32>
    %convert_element_type3A_41 = arith.sitofp %convert_element_type3A_40 : vector<128x128xi32> to vector<128x128xf32>
    %convert_element_type3A_42 = arith.truncf %convert_element_type3A_41 : vector<128x128xf32> to vector<128x128xbf16>
    %broadcast_in_dim3A_43 = arith.constant 0.000000e+00 : f32
    %broadcast_in_dim3A_44 = vector.broadcast %broadcast_in_dim3A_43 : f32 to vector<4x1xf32>
    %scan3A_45 = arith.constant 0 : i32
    %scan3A_46 = arith.constant 47 : i32
    %scan3A_47 = arith.addi %scan3A_45, %scan3A_46 : i32
    %scan3A_48 = arith.constant 1 : i32
    %scan3A_49 = scf.for %scan3A_51 = %scan3A_45 to %scan3A_47 step %scan3A_48 iter_args(%scan3A_52 = %broadcast_in_dim3A_44) -> (vector<4x1xf32>)  : i32 {
      %mul3A_53 = arith.constant 128 : i32
      %mul3A_54 = arith.muli %scan3A_51, %mul3A_53 : i32
      %get3A_55 = arith.constant 0 : index
      %get3A_56 = arith.index_cast %mul3A_54 : i32 to index
      %get3A_57 = vector.load %arg3[%get3A_55, %get3A_56] : memref<4x6016xf32, #tpu.memory_space<vmem>>, vector<4x128xf32>
      %convert_element_type3A_58 = arith.truncf %get3A_57 : vector<4x128xf32> to vector<4x128xbf16>
      %dot_general3A = arith.constant dense<0.000000e+00> : vector<4x128xf32>
      %dot_general3A_59 = tpu.matmul %convert_element_type3A_58, %convert_element_type3A_42, %dot_general3A {dimension_numbers = #tpu.dot_dimension_numbers<[1], [0], [0], [1], [0, 0, 1, 1], [], []>, transpose_lhs_hint = false} : vector<4x128xbf16>, vector<128x128xbf16>, vector<4x128xf32> -> vector<4x128xf32>
      %add3A_60 = vector.broadcast %scan3A_52 : vector<4x1xf32> to vector<4x128xf32>
      %add3A_61 = arith.addf %dot_general3A_59, %add3A_60 : vector<4x128xf32>
      %sub3A_62 = arith.constant 1.000000e+00 : f32
      %sub3A_63 = vector.broadcast %sub3A_62 : f32 to vector<4x128xf32>
      %sub3A_64 = arith.subf %add3A_61, %sub3A_63 : vector<4x128xf32>
      %convert_element_type3A_65 = arith.fptosi %sub3A_64 : vector<4x128xf32> to vector<4x128xi32>
      %mul3A_66 = arith.constant 128 : i32
      %mul3A_67 = arith.muli %scan3A_51, %mul3A_66 : i32
      %swap3A_68 = arith.constant 0 : index
      %swap3A_69 = arith.index_cast %mul3A_67 : i32 to index
      %swap3A_70 = vector.load %arg2[%swap3A_68, %swap3A_69] : memref<4x6016xi32, #tpu.memory_space<vmem>>, vector<4x128xi32>
      tpu.vector_store %arg2[%swap3A_68, %swap3A_69], %convert_element_type3A_65 {strides = array<i32>} : memref<4x6016xi32, #tpu.memory_space<vmem>>, vector<4x128xi32>,
      %convert_element_type3A_71 = arith.fptosi %get3A_57 : vector<4x128xf32> to vector<4x128xi32>
      %mul3A_72 = arith.constant 128 : i32
      %mul3A_73 = arith.muli %scan3A_51, %mul3A_72 : i32
      %swap3A_74 = arith.constant 0 : index
      %swap3A_75 = arith.index_cast %mul3A_73 : i32 to index
      %swap3A_76 = vector.load %arg1[%swap3A_74, %swap3A_75] : memref<4x6016xi32, #tpu.memory_space<vmem>>, vector<4x128xi32>
      tpu.vector_store %arg1[%swap3A_74, %swap3A_75], %convert_element_type3A_71 {strides = array<i32>} : memref<4x6016xi32, #tpu.memory_space<vmem>>, vector<4x128xi32>,
      %reduce_sum3A = arith.constant dense<0.000000e+00> : vector<4xf32>
      %reduce_sum3A_77 = vector.multi_reduction <add>, %get3A_57, %reduce_sum3A [1] : vector<4x128xf32> to vector<4xf32>
      %broadcast_in_dim3A_78 = vector.shape_cast %reduce_sum3A_77 : vector<4xf32> to vector<4x1xf32>
      %add3A_79 = arith.addf %scan3A_52, %broadcast_in_dim3A_78 : vector<4x1xf32>
      scf.yield %add3A_79 : vector<4x1xf32>
    }
    %scan3A_50 = arith.constant 47 : i32
    return
  }
}

</mosaic_0001>

<sc_bundles>
// kernel: kernel.6.cloned.1.call-start
scs
__scs_entry_jumppad:
0x0: {  	(pc) =	sbr.rel $0x88, $3  }
0x1: {  	(tag) =	ssettag $0x0;
	lr =	simm.s32 $0x1  }
0x2: {  	[smem:$0x3F9E] =	sst lr;
	_ =	strace $0xD0000000  }
0x3: {  	_ = 	snop  }
0x4: {  	_ = 	snop  }
0x5: {  	_ = 	snop  }
0x6: {  	_ = 	snop  }
0x7: {  	_ = 	snop  }
__scs_overlays_trampoline_lowered:
0x8: {  	[smem:$0x3FAD] =	sst s0  }
0x9: {  	[smem:$0x3FAE] =	sst s1  }
0xa: {  	[smem:$0x3FAF] =	sst s2  }
0xb: {  	[smem:$0x3FB0] =	sst s3  }
0xc: {  	[smem:$0x3FB1] =	sst s4  }
0xd: {  	[smem:$0x3FB2] =	sst s5  }
0xe: {  	[smem:$0x3FB3] =	sst s6  }
0xf: {  	[smem:$0x3FB4] =	sst s7  }
0x10: {  	[smem:$0x3FB5] =	sst s8  }
0x11: {  	[smem:$0x3FB6] =	sst s9;
	s0 =	simm.s32 @!p0 $0x0  }
0x12: {  	s1 =	sld [smem:$0x3F9C];
	s0 =	simm.s32 @p0 $0x1  }
0x13: {  	[smem:$0x3FB7] =	sst s0;
	s0 =	simm.s32 @!p1 $0x0  }
0x14: {  	s2 =	sld [smem:$0x3F9B];
	s0 =	simm.s32 @p1 $0x1  }
0x15: {  	[smem:$0x3FB8] =	sst s0;
	s0 =	simm.s32 @!p2 $0x0  }
0x16: {  	s3 =	sld [smem:$0x3FDB];
	s0 =	simm.s32 @p2 $0x1  }
0x17: {  	s4 =	simm.s32 $0x1BF5;
	[smem:$0x3FBA] =	sst s0  }
0x18: {  	s0 =	sld [smem:$0x3F9D];
	_ =	swait.ge [sflag:s4], $0x0  }
0x19: {  	s7 =	sld [smem:$0x3F9E]  }
0x1a: {  	s8 =	sadd.s32 $0xFFFFE003, lr  }
0x1b: {  	s9 =	sadd.s32 $0xFFFFFEF7, lr;
	s5 =	simm.s32 $0xFFFFFFFF;
	p2 =	slt.u32 s8, $0xFFFFF086  }
0x1c: {  	p1 =	slt.u32 s9, $0xF7A;
	s5 =	simm.s32 @!p2 $0x0  }
0x1d: {  	s5 =	simm.s32 @p1 $0x1;
	p0 =	seq.s32 s7, s2  }
0x1e: {  	s7 =	smul.u32 @!p0 $0xF7A, s2;
	p2 =	seq.s32 @!p0 s5, $0x0  }
0x1f: {  	s9 =	smul.u32 $0xF7A, s1;
	s8 =	simm.s32 @!p0 $0x1BF5;
	p2 =	por !p2, p0  }
0x20: {  	[sflag:s8] =	ssyncset.s32 @!p0 $0xFFFFF086;
	s6 =	sadd.s32 @!p0 s3, s7;
	s7 =	simm.s32 @!p0 $0x108  }
0x21: {  	s3 =	sadd.s32 s3, s9;
	s6 =	sadd.s32 @!p0 $0x88, s6;
	s7 =	simm.s32 @p2 $0x1082  }
0x22: {  	[simem:s7], [sflag:s8] =	dma.local @!p0 [hbm:s6], $0xF7A  }
0x23: {  	s9 =	sor.u32 $0xD0000000, s2;
	s6 =	simm.s32 $0x108;
	_ =	swait.ge @!p0 [sflag:s8], $0x0  }
0x24: {  	s3 =	sadd.s32 $0x88, s3;
	s6 =	simm.s32 @!p1 $0x1082;
	[sflag:s4] =	ssyncset.s32 $0xFFFFF086  }
0x25: {  	[simem:s6], [sflag:s4] =	dma.local [hbm:s3], $0xF7A  }
0x26: {  	[smem:$0x3F9E] =	sst s1;
	(tag) =	ssettag s2;
	_ =	strace s9  }
0x27: {  	s1 =	sld [smem:$0x3FAE]  }
0x28: {  	s2 =	sld [smem:$0x3FAF]  }
0x29: {  	s4 =	sld [smem:$0x3FB1]  }
0x2a: {  	p0 =	seq.s32 s5, $0x0;
	s5 =	sld [smem:$0x3FB2]  }
0x2b: {  	s6 =	sld [smem:$0x3FB3]  }
0x2c: {  	s7 =	sld [smem:$0x3FB4]  }
0x2d: {  	s3 =	simm.s32 $0x108;
	s8 =	sld [smem:$0x3FB5]  }
0x2e: {  	s3 =	simm.s32 @!p0 $0x1082;
	s9 =	sld [smem:$0x3FB6]  }
0x2f: {  	lr =	sadd.s32 s0, s3;
	s0 =	sld [smem:$0x3FAD]  }
0x30: {  	s3 =	sld [smem:$0x3FB0]  }
0x31: {  	[smem:$0x3FB9] =	sst s10  }
0x32: {  	s10 =	sld [smem:$0x3FB7];
	_ =	sdelay $0x3  }
0x33: {  	p0 =	seq.s32 s10, $0x1;
	s10 =	sld [smem:$0x3FB9];
	_ =	sdelay $0x3  }
0x34: {  	[smem:$0x3FB9] =	sst s10  }
0x35: {  	s10 =	sld [smem:$0x3FB8];
	_ =	sdelay $0x3  }
0x36: {  	p1 =	seq.s32 s10, $0x1;
	s10 =	sld [smem:$0x3FB9];
	_ =	sdelay $0x3  }
0x37: {  	[smem:$0x3FB9] =	sst s10  }
0x38: {  	s10 =	sld [smem:$0x3FBA]  }
0x39: {  	_ = 	snop;
	(pc) =	sbr.ind lr, $3  }
0x3a: {  	_ = 	snop  }
0x3b: {  	_ = 	snop  }
0x3c: {  	p2 =	seq.s32 s10, $0x1;
	s10 =	sld [smem:$0x3FB9]  }
0x3d: {  	_ =	shalt  }
0x3e: {  	_ =	shalt  }
0x3f: {  	_ =	shalt  }
0x40: {  	_ =	shalt  }
0x41: {  	_ =	shalt  }
0x42: {  	_ =	shalt  }
0x43: {  	_ =	shalt  }
0x44: {  	_ =	shalt  }
0x45: {  	_ =	shalt  }
0x46: {  	_ =	shalt  }
0x47: {  	_ =	shalt  }
0x48: {  	_ =	shalt  }
0x49: {  	_ =	shalt  }
0x4a: {  	_ =	shalt  }
0x4b: {  	_ =	shalt  }
0x4c: {  	_ =	shalt  }
0x4d: {  	_ =	shalt  }
0x4e: {  	_ =	shalt  }
0x4f: {  	_ =	shalt  }
0x50: {  	_ =	shalt  }
0x51: {  	_ =	shalt  }
0x52: {  	_ =	shalt  }
0x53: {  	_ =	shalt  }
0x54: {  	_ =	shalt  }
0x55: {  	_ =	shalt  }
0x56: {  	_ =	shalt  }
0x57: {  	_ =	shalt  }
0x58: {  	_ =	shalt  }
0x59: {  	_ =	shalt  }
0x5a: {  	_ =	shalt  }
0x5b: {  	_ =	shalt  }
0x5c: {  	_ =	shalt  }
0x5d: {  	_ =	shalt  }
0x5e: {  	_ =	shalt  }
0x5f: {  	_ =	shalt  }
0x60: {  	_ =	shalt  }
0x61: {  	_ =	shalt  }
0x62: {  	_ =	shalt  }
0x63: {  	_ =	shalt  }
0x64: {  	_ =	shalt  }
0x65: {  	_ =	shalt  }
0x66: {  	_ =	shalt  }
0x67: {  	_ =	shalt  }
0x68: {  	_ =	shalt  }
0x69: {  	_ =	shalt  }
0x6a: {  	_ =	shalt  }
0x6b: {  	_ =	shalt  }
0x6c: {  	_ =	shalt  }
0x6d: {  	_ =	shalt  }
0x6e: {  	_ =	shalt  }
0x6f: {  	_ =	shalt  }
0x70: {  	_ =	shalt  }
0x71: {  	_ =	shalt  }
0x72: {  	_ =	shalt  }
0x73: {  	_ =	shalt  }
0x74: {  	_ =	shalt  }
0x75: {  	_ =	shalt  }
0x76: {  	_ =	shalt  }
0x77: {  	_ =	shalt  }
0x78: {  	_ =	shalt  }
0x79: {  	_ =	shalt  }
0x7a: {  	_ =	shalt  }
0x7b: {  	_ =	shalt  }
0x7c: {  	_ =	shalt  }
0x7d: {  	_ =	shalt  }
0x7e: {  	_ =	shalt  }
0x7f: {  	_ =	shalt  }
0x80: {  	_ =	shalt  }
0x81: {  	_ =	shalt  }
0x82: {  	_ =	shalt  }
0x83: {  	_ =	shalt  }
0x84: {  	_ =	shalt  }
0x85: {  	_ =	shalt  }
0x86: {  	_ =	shalt  }
0x87: {  	_ =	shalt  }
.Lfunc_end0:
.L_simem_size_0:
called_computation_lowered:
.L_overlay_start_0:
0x88: {  	s2 =	sld [smem:$0x3FD9]  }
0x89: {  	s3 =	sld [smem:$0x3FFE];
	_ =	sdelay $0x1  }
0x8a: {  	s1 =	srdreg.scid  }
0x8b: {  	s0 =	sand.u32 $0x1, s1  }
0x8c: {  	s16 =	sshll.u32 s0, $0xA;
	s2 =	sadd.s32 s3, s2  }
0x8d: {  	s2 =	sadd.s32 s2, s16  }
0x8e: {  	[smem:$0x3FC5] =	sst s2  }
0x8f: {  	_ = 	snop  }
0x90: {  	(tm) =	ssettm $0x1  }
0x91: {  	s17 =	sld [smem:$0x3FFB];
	_ =	sdelay $0x3  }
0x92: {  	_ =	strace s17  }
0x93: {  	s2 =	sld [smem:$0x3FFC];
	_ =	sdelay $0x3  }
0x94: {  	_ =	strace s2  }
0x95: {  	s2 =	sld [smem:$0x3FFD];
	_ =	sdelay $0x3  }
0x96: {  	_ =	strace s2  }
0x97: {  	_ =	strace $0x8FFFFFFF  }
0x98: {  	s18 =	sld [smem:$0x3FDB];
	_ =	sdelay $0x1  }
0x99: {  	s19 =	simm.s32 $_scs_section_size  }
0x9a: {  	s4 =	simm.s32 $_size__tile_overlayer_lowered;
	s5 =	simm.s32 $_tile_overlayer_lowered  }
0x9b: {  	s22 =	simm.s32 $0x1BFF;
	s21 =	sshll.u32 s5, $0x1;
	s2 =	sadd.s32 s19, s18  }
0x9c: {  	s6 =	simm.s32 $0x0;
	s20 =	sshll.u32 s4, $0x1;
	s4 =	sadd.s32 s21, s2  }
0x9d: {  	[timem:s6], [sflag:s22] =	dma.local [hbm:s4], s20  }
0x9e: {  	_ =	swait.ge [sflag:s22], s20  }
0x9f: {  	s3 =	ssub.s32 $0x0, s20;
	[sflag:s22] =	ssyncset.done $0x0  }
0xa0: {  	[sflag:s22] =	ssyncadd.s32 s3;
	_ =	sdelay $0x1  }
0xa1: {  	s23 =	simm.s32 $0x1B8B  }
0xa2: {  	_ =	swait.ge [sflag:s23], $0x1  }
0xa3: {  	[sflag:s23] =	ssyncset.done $0x0  }
0xa4: {  	s25 =	simm.s32 $0x1B8E;
	s24 =	sld [smem:$0x3FFE];
	[sflag:s23] =	ssyncadd.s32 $0xFFFFFFFF  }
0xa5: {  	s26 =	simm.s32 $execute0_lowered;
	[smem:$0x3FD2] =	sst s25  }
0xa6: {  	s4 =	sshll.u32 s26, $0x1;
	_ =	strace $0x80000046;
	[dreg:$0x1] =	wrdreg $0xFFFFFFFF  }
0xa7: {  	s28 =	simm.s32 $_size_execute0_lowered;
	s2 =	sadd.s32 s2, s4;
	[dreg:$0x0] =	wrdreg $0x0  }
0xa8: {  	s4 =	sshll.u32 s28, $0x1;
	[dreg:$0x2] =	wrdreg s2  }
0xa9: {  	[dreg:$0x3] =	wrdreg s4  }
0xaa: {  	[dreg:$0x4] =	wrdreg $0xC0  }
0xab: {  	_ =	task [dreg:s6], $0x5FFFF  }
0xac: {  	[dreg:$0x1] =	wrdreg $0xFFFFFFFF  }
0xad: {  	[dreg:$0x0] =	wrdreg $0x60  }
0xae: {  	[dreg:$0x2] =	wrdreg s24  }
0xaf: {  	[dreg:$0x3] =	wrdreg $0x9  }
0xb0: {  	_ =	task.clear_ibuf [dreg:s6], $0x4FFFF;
	_ =	strace $0x90000046  }
0xb1: {  	s29 =	simm.s32 $0x9;
	_ =	strace $0x80000048  }
0xb2: {  	_ =	swait.ge [sflag:s29], $0x1  }
0xb3: {  	[sflag:s29] =	ssyncadd.s32 $0xFFFFFFFF  }
0xb4: {  	_ =	strace $0x90000048  }
0xb5: {  	_ =	sfence  }
0xb6: {  	s30 =	sld [smem:$0x0];
	_ =	sdelay $0x2  }
0xb7: {  	s31 =	sshll.u32 s1, $0xD;
	s1 =	sshrl.u32 s1, $0x2  }
0xb8: {  	s3 =	sand.u32 $0x4000, s31;
	s1 =	sadd.s32 s1, s30  }
0xb9: {  	s0 =	sor.u32 s3, s0;
	s1 =	sshll.u32 s1, $0x11  }
0xba: {  	s0 =	sor.u32 s1, s0  }
0xbb: {  	s0 =	sadd.s32 $0x8F2B, s0  }
0xbc: {  	[sflag:s0] =	ssyncadd.remote.s32 $0x1  }
0xbd: {  	_ =	sfence.sel $0xFFFF  }
0xbe: {  	[dreg:$0x0] =	wrdreg $0xFFFFFFFF;
	(pc) =	sbr.abs _section_cstart, $3  }
0xbf: {  	[dreg:$0x1] =	wrdreg $0xFFFFFFFF  }
0xc0: {  	_ =	task.clear_ibuf [dreg:s6], $0x2FFFF;
	_ =	strace $0x9FFFFFFF  }
0xc1: {  	(tm) =	ssettm $0x7FFFFFFF  }
tec
execute0_lowered:
.L_overlay_start_1:
0x0: {  	(tag) =	ssettag $0x1  }
0x1: {  	s0 =	srdreg.scid  }
0x2: {  	s3 =	sand.u32 $0x1, s0  }
0x3: {  	s1 =	stileid.u32;
	s5 =	sshll.u32 s3, $0x4  }
0x4: {  	s5 =	sor.u32 s1, s5  }
0x5: {  	p0 =	sgt.u32 s5, $0x13  }
.Ltmp0:
0x6: {  	_ = 	snop;
	(pc) =	sbr.rel @p0 .LBB2_5-.Ltmp0, $4  }
0x7: {  	_ = 	snop  }
0x8: {  	s4 =	rddreg [dreg:$0x0];
	s2 =	simm.s32 $0x0  }
0x9: {  	[smem:$0x7FF] =	sst s2  }
0xa: {  	s0 =	rddreg [dreg:$0x1];
	_ =	strace $0x80000047  }
0xb: {  	s6 =	smul.u32 $0x34, s5  }
0xc: {  	s24 =	sshrl.u32 s5, $0x3;
	s7 =	sshll.u32 s1, $0x7;
	s10 =	sadd.s32 $0x2600, s4  }
0xd: {  	s26 =	ssub.s32 $0x2, s3;
	s11 =	simm.s32 $0x2000;
	s12 =	simm.s32 $0x4000  }
0xe: {  	s8 =	smul.u32 $0xBC00, s24;
	s7 =	sand.u32 $0x380, s7;
	s28 =	sshll.u32 s24, $0x10  }
0xf: {  	s30 =	sshrl.u32 s26, $0x1;
	s9 =	sshrl.u32 s6, $0x4;
	s6 =	sshll.u32 s6, $0x2  }
0x10: {  	s8 =	sor.u32 s7, s8;
	s9 =	sand.u32 $0x30, s9;
	s6 =	sand.u32 $0x1000, s6  }
0x11: {  	s7 =	sor.u32 s7, s28;
	s8 =	sshrl.u32 s8, $0x3;
	s9 =	sadd.s32 s9, s4  }
0x12: {  	s31 =	sshrl.u32 s7, $0x3;
	s7 =	simm.s32 $0x80;
	s25 =	sadd.s32 s8, s4  }
0x13: {  	s29 =	sadd.s32 s6, s9;
	s6 =	ssub.s32 s26, s30;
	s5 =	sadd.s32 s10, s31  }
0x14: {  	s8 =	simm.s32 $0x400;
	s9 =	simm.s32 $0x1;
	s10 =	simm.s32 $0x200  }
0x15: {  	s3 =	sadd.s32 $0x1600, s29;
	s4 =	sadd.s32 $0x8600, s25;
	s6 =	smax.u32 s6, $0x1  }
.LBB2_2:
0x16: {  	s13 =	simm.s32 $0x0  }
0x17: {  	[tilespmem:s13], [sflag:$0x1] =	stream.strided.gather [hbm4b:s5+s7], $0x2000, s8, s7, $0x38;
	[tilespmem:$0x5780] =	vst v63  }
0x18: {  	_ =	swait.ge [sflag:s9], $0x2000  }
0x19: {  	[sflag:s9] =	ssyncset.done $0x0  }
0x1a: {  	[sflag:s9] =	ssyncadd.s32 $0xFFFFE000  }
0x1b: {  	[tilespmem:s11], [sflag:$0x1] =	stream.strided.gather [hbm4b:s3+s7], $0x2000, s10, s7, $0x38;
	[tilespmem:$0x5780] =	vst v63  }
0x1c: {  	_ =	swait.ge [sflag:s9], $0x2000  }
0x1d: {  	[sflag:s9] =	ssyncset.done $0x0  }
0x1e: {  	s14 =	simm.s32 $0x0;
	s13 =	simm.s32 $0x40;
	[sflag:s9] =	ssyncadd.s32 $0xFFFFE000  }
.LBB2_3:
0x1f: {  	p0 =	sne.s32 s13, $0x7FC0;
	v0 =	vld [tilespmem:s14+$0x2000];
	_ =	sdelay $0x4  }
0x20: {  	vm0 =	vlt.s32 v0, $0x1780;
	vm1 =	vlt.s32 v0, $0x177F  }
0x21: {  	v1 =	vld [tilespmem:s14+$0x0];
	v0 =	vnsel vm1, $0x177F, v0  }
.Ltmp1:
0x22: {  	(pc) =	sbr.rel @p0 .LBB2_3-.Ltmp1, $2  }
0x23: {  	_ =	sdelay $0x2  }
0x24: {  	s14 =	sshra.s32 s13, $0x2;
	s13 =	sadd.s32 $0x40, s13;
	[tilespmem:v0+s12+$0x0] =	vst.idx.msk vm0, v1  }
0x25: {  	v0 =	vld [tilespmem:s14+$0x2000];
	_ =	sdelay $0x4  }
0x26: {  	vm0 =	vlt.s32 v0, $0x1780;
	vm1 =	vlt.s32 v0, $0x177F  }
0x27: {  	v1 =	vld [tilespmem:s14+$0x0];
	v0 =	vnsel vm1, $0x177F, v0;
	_ =	sdelay $0x2  }
0x28: {  	s2 =	sadd.s32 $0x1, s2  }
0x29: {  	p0 =	sne.s32 s2, s6  }
.Ltmp2:
0x2a: {  	[tilespmem:v0+s12+$0x0] =	vst.idx.msk vm0, v1;
	(pc) =	sbr.rel @p0 .LBB2_2-.Ltmp2, $4  }
0x2b: {  	[hbm4b:s4+s7] =	stream.strided.scatter [tilespmem:s12], [sflag:$0x1], $0x1780, s8, s7, $0x38;
	[tilespmem:$0x5780] =	vst v63  }
0x2c: {  	_ =	swait.ge [sflag:s9], $0x1780  }
0x2d: {  	[sflag:s9] =	ssyncset.done $0x0  }
0x2e: {  	[sflag:s9] =	ssyncadd.s32 $0xFFFFE880  }
.LBB2_5:
0x2f: {  	_ =	sfence.sel $0x180000  }
0x30: {  	[bflag:$0x0] =	sbarrier.arrive $0xFFFF  }
0x31: {  	p0 =	sne.s32 s1, $0x0;
	_ =	strace $0x90000047  }
0x32: {  	s0 =	sadd.s32 @!p0 $0x100000, s0;
	[bflag:$0x2] =	sbarrier.arrive $0xFFFF  }
0x33: {  	[sflag:s0] =	ssyncadd.tile.s32 @!p0 $0x1;
	_ =	shalt  }
.Lfunc_end2:
_tile_overlayer_lowered:
.L_overlay_start_2:
0x34: {  	(tag) =	ssettag $0x2  }
0x35: {  	s0 =	rddreg [dreg:$0x0];
	s2 =	stileid.u32  }
0x36: {  	s1 =	rddreg [dreg:$0x1];
	p0 =	sne.s32 s2, $0x0  }
0x37: {  	s3 =	rddreg [dreg:$0x2];
	[bflag:$0x3] =	sbarrier.arrive $0xFFFF;
	s2 =	simm.s32 @!p0 $0x1C01  }
0x38: {  	[timem:s3], [sflag:s2] =	dma.local @!p0 [hbm:s0], s1  }
0x39: {  	s0 =	simm.s32 @!p0 $0x1  }
0x3a: {  	_ =	swait.ge @!p0 [sflag:s0], s1  }
0x3b: {  	s1 =	ssub.s32 @!p0 $0x0, s1;
	[sflag:s0] =	ssyncset.done @!p0 $0x0  }
0x3c: {  	[sflag:s0] =	ssyncadd.s32 @!p0 s1  }
0x3d: {  	[bflag:$0x3] =	sbarrier.arrive $0xFFFF  }
0x3e: {  	_ =	shalt  }

// kernel: kernel.9.cloned.1.call-start
scs
__scs_entry_jumppad:
0x0: {  	(pc) =	sbr.rel $0x88, $3  }
0x1: {  	(tag) =	ssettag $0x0;
	lr =	simm.s32 $0x1  }
0x2: {  	[smem:$0x3F9E] =	sst lr;
	_ =	strace $0xD0000000  }
0x3: {  	_ = 	snop  }
0x4: {  	_ = 	snop  }
0x5: {  	_ = 	snop  }
0x6: {  	_ = 	snop  }
0x7: {  	_ = 	snop  }
__scs_overlays_trampoline_lowered:
0x8: {  	[smem:$0x3FAD] =	sst s0  }
0x9: {  	[smem:$0x3FAE] =	sst s1  }
0xa: {  	[smem:$0x3FAF] =	sst s2  }
0xb: {  	[smem:$0x3FB0] =	sst s3  }
0xc: {  	[smem:$0x3FB1] =	sst s4  }
0xd: {  	[smem:$0x3FB2] =	sst s5  }
0xe: {  	[smem:$0x3FB3] =	sst s6  }
0xf: {  	[smem:$0x3FB4] =	sst s7  }
0x10: {  	[smem:$0x3FB5] =	sst s8  }
0x11: {  	[smem:$0x3FB6] =	sst s9;
	s0 =	simm.s32 @!p0 $0x0  }
0x12: {  	s1 =	sld [smem:$0x3F9C];
	s0 =	simm.s32 @p0 $0x1  }
0x13: {  	[smem:$0x3FB7] =	sst s0;
	s0 =	simm.s32 @!p1 $0x0  }
0x14: {  	s2 =	sld [smem:$0x3F9B];
	s0 =	simm.s32 @p1 $0x1  }
0x15: {  	[smem:$0x3FB8] =	sst s0;
	s0 =	simm.s32 @!p2 $0x0  }
0x16: {  	s3 =	sld [smem:$0x3FDB];
	s0 =	simm.s32 @p2 $0x1  }
0x17: {  	s4 =	simm.s32 $0x1BF5;
	[smem:$0x3FBA] =	sst s0  }
0x18: {  	s0 =	sld [smem:$0x3F9D];
	_ =	swait.ge [sflag:s4], $0x0  }
0x19: {  	s7 =	sld [smem:$0x3F9E]  }
0x1a: {  	s8 =	sadd.s32 $0xFFFFE003, lr  }
0x1b: {  	s9 =	sadd.s32 $0xFFFFFEF7, lr;
	s5 =	simm.s32 $0xFFFFFFFF;
	p2 =	slt.u32 s8, $0xFFFFF086  }
0x1c: {  	p1 =	slt.u32 s9, $0xF7A;
	s5 =	simm.s32 @!p2 $0x0  }
0x1d: {  	s5 =	simm.s32 @p1 $0x1;
	p0 =	seq.s32 s7, s2  }
0x1e: {  	s7 =	smul.u32 @!p0 $0xF7A, s2;
	p2 =	seq.s32 @!p0 s5, $0x0  }
0x1f: {  	s9 =	smul.u32 $0xF7A, s1;
	s8 =	simm.s32 @!p0 $0x1BF5;
	p2 =	por !p2, p0  }
0x20: {  	[sflag:s8] =	ssyncset.s32 @!p0 $0xFFFFF086;
	s6 =	sadd.s32 @!p0 s3, s7;
	s7 =	simm.s32 @!p0 $0x108  }
0x21: {  	s3 =	sadd.s32 s3, s9;
	s6 =	sadd.s32 @!p0 $0x88, s6;
	s7 =	simm.s32 @p2 $0x1082  }
0x22: {  	[simem:s7], [sflag:s8] =	dma.local @!p0 [hbm:s6], $0xF7A  }
0x23: {  	s9 =	sor.u32 $0xD0000000, s2;
	s6 =	simm.s32 $0x108;
	_ =	swait.ge @!p0 [sflag:s8], $0x0  }
0x24: {  	s3 =	sadd.s32 $0x88, s3;
	s6 =	simm.s32 @!p1 $0x1082;
	[sflag:s4] =	ssyncset.s32 $0xFFFFF086  }
0x25: {  	[simem:s6], [sflag:s4] =	dma.local [hbm:s3], $0xF7A  }
0x26: {  	[smem:$0x3F9E] =	sst s1;
	(tag) =	ssettag s2;
	_ =	strace s9  }
0x27: {  	s1 =	sld [smem:$0x3FAE]  }
0x28: {  	s2 =	sld [smem:$0x3FAF]  }
0x29: {  	s4 =	sld [smem:$0x3FB1]  }
0x2a: {  	p0 =	seq.s32 s5, $0x0;
	s5 =	sld [smem:$0x3FB2]  }
0x2b: {  	s6 =	sld [smem:$0x3FB3]  }
0x2c: {  	s7 =	sld [smem:$0x3FB4]  }
0x2d: {  	s3 =	simm.s32 $0x108;
	s8 =	sld [smem:$0x3FB5]  }
0x2e: {  	s3 =	simm.s32 @!p0 $0x1082;
	s9 =	sld [smem:$0x3FB6]  }
0x2f: {  	lr =	sadd.s32 s0, s3;
	s0 =	sld [smem:$0x3FAD]  }
0x30: {  	s3 =	sld [smem:$0x3FB0]  }
0x31: {  	[smem:$0x3FB9] =	sst s10  }
0x32: {  	s10 =	sld [smem:$0x3FB7];
	_ =	sdelay $0x3  }
0x33: {  	p0 =	seq.s32 s10, $0x1;
	s10 =	sld [smem:$0x3FB9];
	_ =	sdelay $0x3  }
0x34: {  	[smem:$0x3FB9] =	sst s10  }
0x35: {  	s10 =	sld [smem:$0x3FB8];
	_ =	sdelay $0x3  }
0x36: {  	p1 =	seq.s32 s10, $0x1;
	s10 =	sld [smem:$0x3FB9];
	_ =	sdelay $0x3  }
0x37: {  	[smem:$0x3FB9] =	sst s10  }
0x38: {  	s10 =	sld [smem:$0x3FBA]  }
0x39: {  	_ = 	snop;
	(pc) =	sbr.ind lr, $3  }
0x3a: {  	_ = 	snop  }
0x3b: {  	_ = 	snop  }
0x3c: {  	p2 =	seq.s32 s10, $0x1;
	s10 =	sld [smem:$0x3FB9]  }
0x3d: {  	_ =	shalt  }
0x3e: {  	_ =	shalt  }
0x3f: {  	_ =	shalt  }
0x40: {  	_ =	shalt  }
0x41: {  	_ =	shalt  }
0x42: {  	_ =	shalt  }
0x43: {  	_ =	shalt  }
0x44: {  	_ =	shalt  }
0x45: {  	_ =	shalt  }
0x46: {  	_ =	shalt  }
0x47: {  	_ =	shalt  }
0x48: {  	_ =	shalt  }
0x49: {  	_ =	shalt  }
0x4a: {  	_ =	shalt  }
0x4b: {  	_ =	shalt  }
0x4c: {  	_ =	shalt  }
0x4d: {  	_ =	shalt  }
0x4e: {  	_ =	shalt  }
0x4f: {  	_ =	shalt  }
0x50: {  	_ =	shalt  }
0x51: {  	_ =	shalt  }
0x52: {  	_ =	shalt  }
0x53: {  	_ =	shalt  }
0x54: {  	_ =	shalt  }
0x55: {  	_ =	shalt  }
0x56: {  	_ =	shalt  }
0x57: {  	_ =	shalt  }
0x58: {  	_ =	shalt  }
0x59: {  	_ =	shalt  }
0x5a: {  	_ =	shalt  }
0x5b: {  	_ =	shalt  }
0x5c: {  	_ =	shalt  }
0x5d: {  	_ =	shalt  }
0x5e: {  	_ =	shalt  }
0x5f: {  	_ =	shalt  }
0x60: {  	_ =	shalt  }
0x61: {  	_ =	shalt  }
0x62: {  	_ =	shalt  }
0x63: {  	_ =	shalt  }
0x64: {  	_ =	shalt  }
0x65: {  	_ =	shalt  }
0x66: {  	_ =	shalt  }
0x67: {  	_ =	shalt  }
0x68: {  	_ =	shalt  }
0x69: {  	_ =	shalt  }
0x6a: {  	_ =	shalt  }
0x6b: {  	_ =	shalt  }
0x6c: {  	_ =	shalt  }
0x6d: {  	_ =	shalt  }
0x6e: {  	_ =	shalt  }
0x6f: {  	_ =	shalt  }
0x70: {  	_ =	shalt  }
0x71: {  	_ =	shalt  }
0x72: {  	_ =	shalt  }
0x73: {  	_ =	shalt  }
0x74: {  	_ =	shalt  }
0x75: {  	_ =	shalt  }
0x76: {  	_ =	shalt  }
0x77: {  	_ =	shalt  }
0x78: {  	_ =	shalt  }
0x79: {  	_ =	shalt  }
0x7a: {  	_ =	shalt  }
0x7b: {  	_ =	shalt  }
0x7c: {  	_ =	shalt  }
0x7d: {  	_ =	shalt  }
0x7e: {  	_ =	shalt  }
0x7f: {  	_ =	shalt  }
0x80: {  	_ =	shalt  }
0x81: {  	_ =	shalt  }
0x82: {  	_ =	shalt  }
0x83: {  	_ =	shalt  }
0x84: {  	_ =	shalt  }
0x85: {  	_ =	shalt  }
0x86: {  	_ =	shalt  }
0x87: {  	_ =	shalt  }
.Lfunc_end0:
.L_simem_size_0:
called_computation.1_lowered:
.L_overlay_start_0:
0x88: {  	s2 =	sld [smem:$0x3FD9]  }
0x89: {  	s3 =	sld [smem:$0x3FFE];
	_ =	sdelay $0x1  }
0x8a: {  	s1 =	srdreg.scid  }
0x8b: {  	s0 =	sand.u32 $0x1, s1  }
0x8c: {  	s16 =	sshll.u32 s0, $0xA;
	s2 =	sadd.s32 s3, s2  }
0x8d: {  	s2 =	sadd.s32 s2, s16  }
0x8e: {  	[smem:$0x3FC5] =	sst s2  }
0x8f: {  	_ = 	snop  }
0x90: {  	(tm) =	ssettm $0x1  }
0x91: {  	s17 =	sld [smem:$0x3FFB];
	_ =	sdelay $0x3  }
0x92: {  	_ =	strace s17  }
0x93: {  	s2 =	sld [smem:$0x3FFC];
	_ =	sdelay $0x3  }
0x94: {  	_ =	strace s2  }
0x95: {  	s2 =	sld [smem:$0x3FFD];
	_ =	sdelay $0x3  }
0x96: {  	_ =	strace s2  }
0x97: {  	_ =	strace $0x8FFFFFFF  }
0x98: {  	s18 =	sld [smem:$0x3FDB];
	_ =	sdelay $0x1  }
0x99: {  	s19 =	simm.s32 $_scs_section_size  }
0x9a: {  	s4 =	simm.s32 $_size__tile_overlayer_lowered;
	s5 =	simm.s32 $_tile_overlayer_lowered  }
0x9b: {  	s22 =	simm.s32 $0x1BFF;
	s21 =	sshll.u32 s5, $0x1;
	s2 =	sadd.s32 s19, s18  }
0x9c: {  	s6 =	simm.s32 $0x0;
	s20 =	sshll.u32 s4, $0x1;
	s4 =	sadd.s32 s21, s2  }
0x9d: {  	[timem:s6], [sflag:s22] =	dma.local [hbm:s4], s20  }
0x9e: {  	_ =	swait.ge [sflag:s22], s20  }
0x9f: {  	s3 =	ssub.s32 $0x0, s20;
	[sflag:s22] =	ssyncset.done $0x0  }
0xa0: {  	[sflag:s22] =	ssyncadd.s32 s3;
	_ =	sdelay $0x1  }
0xa1: {  	s23 =	simm.s32 $0x1B8B  }
0xa2: {  	_ =	swait.ge [sflag:s23], $0x1  }
0xa3: {  	[sflag:s23] =	ssyncset.done $0x0  }
0xa4: {  	s25 =	simm.s32 $0x1B8E;
	s24 =	sld [smem:$0x3FFE];
	[sflag:s23] =	ssyncadd.s32 $0xFFFFFFFF  }
0xa5: {  	s26 =	simm.s32 $execute0_lowered;
	[smem:$0x3FD2] =	sst s25  }
0xa6: {  	s4 =	sshll.u32 s26, $0x1;
	_ =	strace $0x80000049;
	[dreg:$0x1] =	wrdreg $0xFFFFFFFF  }
0xa7: {  	s28 =	simm.s32 $_size_execute0_lowered;
	s2 =	sadd.s32 s2, s4;
	[dreg:$0x0] =	wrdreg $0x0  }
0xa8: {  	s4 =	sshll.u32 s28, $0x1;
	[dreg:$0x2] =	wrdreg s2  }
0xa9: {  	[dreg:$0x3] =	wrdreg s4  }
0xaa: {  	[dreg:$0x4] =	wrdreg $0xC0  }
0xab: {  	_ =	task [dreg:s6], $0x5FFFF  }
0xac: {  	[dreg:$0x1] =	wrdreg $0xFFFFFFFF  }
0xad: {  	[dreg:$0x0] =	wrdreg $0x60  }
0xae: {  	[dreg:$0x2] =	wrdreg s24  }
0xaf: {  	[dreg:$0x3] =	wrdreg $0x9  }
0xb0: {  	_ =	task.clear_ibuf [dreg:s6], $0x4FFFF;
	_ =	strace $0x90000049  }
0xb1: {  	s29 =	simm.s32 $0x9;
	_ =	strace $0x8000004B  }
0xb2: {  	_ =	swait.ge [sflag:s29], $0x1  }
0xb3: {  	[sflag:s29] =	ssyncadd.s32 $0xFFFFFFFF  }
0xb4: {  	_ =	strace $0x9000004B  }
0xb5: {  	_ =	sfence  }
0xb6: {  	s30 =	sld [smem:$0x0];
	_ =	sdelay $0x2  }
0xb7: {  	s31 =	sshll.u32 s1, $0xD;
	s1 =	sshrl.u32 s1, $0x2  }
0xb8: {  	s3 =	sand.u32 $0x4000, s31;
	s1 =	sadd.s32 s1, s30  }
0xb9: {  	s0 =	sor.u32 s3, s0;
	s1 =	sshll.u32 s1, $0x11  }
0xba: {  	s0 =	sor.u32 s1, s0  }
0xbb: {  	s0 =	sadd.s32 $0x8F2B, s0  }
0xbc: {  	[sflag:s0] =	ssyncadd.remote.s32 $0x1  }
0xbd: {  	_ =	sfence.sel $0xFFFF  }
0xbe: {  	[dreg:$0x0] =	wrdreg $0xFFFFFFFF;
	(pc) =	sbr.abs _section_cstart, $3  }
0xbf: {  	[dreg:$0x1] =	wrdreg $0xFFFFFFFF  }
0xc0: {  	_ =	task.clear_ibuf [dreg:s6], $0x2FFFF;
	_ =	strace $0x9FFFFFFF  }
0xc1: {  	(tm) =	ssettm $0x7FFFFFFF  }
tec
execute0_lowered:
.L_overlay_start_1:
0x0: {  	(tag) =	ssettag $0x1  }
0x1: {  	s0 =	srdreg.scid  }
0x2: {  	s4 =	sand.u32 $0x1, s0  }
0x3: {  	s1 =	stileid.u32;
	s5 =	sshll.u32 s4, $0x4  }
0x4: {  	s5 =	sor.u32 s1, s5  }
0x5: {  	p0 =	sgt.u32 s5, $0x13  }
.Ltmp0:
0x6: {  	_ = 	snop;
	(pc) =	sbr.rel @p0 .LBB2_7-.Ltmp0, $4  }
0x7: {  	_ = 	snop  }
0x8: {  	s3 =	rddreg [dreg:$0x0];
	s2 =	simm.s32 $0x0  }
0x9: {  	[smem:$0x7FF] =	sst s2  }
0xa: {  	s0 =	rddreg [dreg:$0x1];
	_ =	strace $0x8000004A  }
0xb: {  	s6 =	smul.u32 $0x34, s5  }
0xc: {  	s25 =	sshrl.u32 s5, $0x3;
	s8 =	sshll.u32 s1, $0x7;
	s9 =	sadd.s32 $0x8600, s3  }
0xd: {  	s10 =	ssub.s32 $0x2, s4;
	s11 =	simm.s32 $0x200;
	s12 =	simm.s32 $0x1780  }
0xe: {  	s13 =	simm.s32 $0x2F00;
	s14 =	simm.s32 $0x4680;
	s26 =	sand.u32 $0x380, s8  }
0xf: {  	s28 =	sshll.u32 s25, $0xD;
	s5 =	smul.u32 $0xBC00, s25;
	s7 =	sshrl.u32 s6, $0xA  }
0x10: {  	s29 =	sshrl.u32 s10, $0x1;
	s6 =	sshrl.u32 s6, $0x1;
	s7 =	smul.u32 $0x5E00, s7  }
0x11: {  	s8 =	sor.u32 s26, s28;
	s30 =	ssub.s32 s10, s29;
	s6 =	sand.u32 $0x180, s6  }
0x12: {  	s10 =	simm.s32 $0x1;
	s8 =	sshrl.u32 s8, $0x3;
	s6 =	sor.u32 s6, s7  }
0x13: {  	s8 =	sadd.s32 s8, s3;
	s7 =	sor.u32 s26, s5;
	s6 =	sshrl.u32 s6, $0x3  }
0x14: {  	s5 =	sadd.s32 $0x2E00, s8;
	s8 =	simm.s32 $0x80;
	s6 =	sadd.s32 s6, s3  }
0x15: {  	s31 =	sshrl.u32 s7, $0x3;
	s7 =	smax.u32 s30, $0x1;
	s3 =	sadd.s32 $0x1600, s6  }
0x16: {  	v0 =	vimm.f32 $0.0e+00;
	s4 =	sadd.s32 $0x2200, s6;
	s6 =	sadd.s32 s9, s31;
	s9 =	simm.s32 $0x400  }
.LBB2_2:
0x17: {  	s15 =	simm.s32 $0x0  }
0x18: {  	[tilespmem:s15], [sflag:$0x1] =	stream.strided.gather [hbm4b:s6+s8], $0x1780, s9, s8, $0x38;
	[tilespmem:$0x4A80] =	vst v63  }
0x19: {  	_ =	swait.ge [sflag:s10], $0x1780  }
0x1a: {  	[sflag:s10] =	ssyncset.done $0x0  }
0x1b: {  	[sflag:s10] =	ssyncadd.s32 $0xFFFFE880  }
0x1c: {  	[tilespmem:s12], [sflag:$0x1] =	stream.strided.gather [hbm4b:s3+s8], $0x1780, s11, s8, $0x38;
	[tilespmem:$0x4A80] =	vst v63  }
0x1d: {  	_ =	swait.ge [sflag:s10], $0x1780  }
0x1e: {  	[sflag:s10] =	ssyncset.done $0x0  }
0x1f: {  	[sflag:s10] =	ssyncadd.s32 $0xFFFFE880  }
0x20: {  	[tilespmem:s13], [sflag:$0x1] =	stream.strided.gather [hbm4b:s4+s8], $0x1780, s11, s8, $0x38;
	[tilespmem:$0x4A80] =	vst v63  }
0x21: {  	_ =	swait.ge [sflag:s10], $0x1780  }
0x22: {  	[sflag:s10] =	ssyncset.done $0x0  }
0x23: {  	s16 =	simm.s32 $0x0;
	s15 =	simm.s32 $0x40;
	[sflag:s10] =	ssyncadd.s32 $0xFFFFE880  }
.LBB2_3:
0x24: {  	p0 =	sne.s32 s15, $0xFC0;
	[tilespmem:s16+$0x4680] =	vst v0;
	s16 =	smov.u32 s15;
	s15 =	sadd.s32 $0x40, s15  }
.Ltmp1:
0x25: {  	(pc) =	sbr.rel @p0 .LBB2_3-.Ltmp1, $2  }
0x26: {  	_ =	sdelay $0x2  }
0x27: {  	s16 =	sshra.s32 s16, $0x2  }
0x28: {  	[tilespmem:s16+$0x4680] =	vst v0;
	s15 =	simm.s32 $0x0  }
0x29: {  	s16 =	simm.s32 $0x40;
	v1 =	vld [tilespmem:s15+$0x1780]  }
.LBB2_5:
0x2a: {  	p0 =	sne.s32 s16, $0x5DC0;
	v2 =	vld [tilespmem:s15+$0x2F00];
	_ =	sdelay $0x4  }
0x2b: {  	vm0 =	vgt.s32 v1, $0x0;
	vm1 =	vlt.s32 v2, $0x3E8;
	vm2 =	vgt.s32 v2, $0x0  }
0x2c: {  	vm0 =	vmand vm0, vm1;
	v1 =	vnsel vm2, $0x0, v2  }
0x2d: {  	v2 =	vld [tilespmem:s15+$0x0];
	v1 =	vmin.u32 v1, $0x3FF;
	_ =	sdelay $0x1  }
.Ltmp2:
0x2e: {  	(pc) =	sbr.rel @p0 .LBB2_5-.Ltmp2, $3  }
0x2f: {  	_ =	sdelay $0x1  }
0x30: {  	s15 =	sshra.s32 s16, $0x2;
	[tilespmem:v1+s14+$0x0] =	vst.idx.msk vm0, v2  }
0x31: {  	s16 =	sadd.s32 $0x40, s16;
	v1 =	vld [tilespmem:s15+$0x1780]  }
0x32: {  	v2 =	vld [tilespmem:s15+$0x2F00];
	_ =	sdelay $0x4  }
0x33: {  	vm0 =	vgt.s32 v1, $0x0;
	vm1 =	vlt.s32 v2, $0x3E8;
	vm2 =	vgt.s32 v2, $0x0  }
0x34: {  	vm0 =	vmand vm0, vm1;
	v1 =	vnsel vm2, $0x0, v2  }
0x35: {  	v2 =	vld [tilespmem:s15+$0x0];
	v1 =	vmin.u32 v1, $0x3FF;
	_ =	sdelay $0x2  }
0x36: {  	s2 =	sadd.s32 $0x1, s2  }
0x37: {  	p0 =	sne.s32 s2, s7  }
.Ltmp3:
0x38: {  	[tilespmem:v1+s14+$0x0] =	vst.idx.msk vm0, v2;
	(pc) =	sbr.rel @p0 .LBB2_2-.Ltmp3, $4  }
0x39: {  	[hbm4b:s5+s8] =	stream.strided.scatter [tilespmem:s14], [sflag:$0x1], $0x400, s9, s8, $0x38;
	[tilespmem:$0x4A80] =	vst v63  }
0x3a: {  	_ =	swait.ge [sflag:s10], $0x400  }
0x3b: {  	[sflag:s10] =	ssyncset.done $0x0  }
0x3c: {  	[sflag:s10] =	ssyncadd.s32 $0xFFFFFC00  }
.LBB2_7:
0x3d: {  	_ =	sfence.sel $0x180000  }
0x3e: {  	[bflag:$0x0] =	sbarrier.arrive $0xFFFF  }
0x3f: {  	p0 =	sne.s32 s1, $0x0;
	_ =	strace $0x9000004A  }
0x40: {  	s0 =	sadd.s32 @!p0 $0x100000, s0;
	[bflag:$0x2] =	sbarrier.arrive $0xFFFF  }
0x41: {  	[sflag:s0] =	ssyncadd.tile.s32 @!p0 $0x1;
	_ =	shalt  }
.Lfunc_end2:
_tile_overlayer_lowered:
.L_overlay_start_2:
0x42: {  	(tag) =	ssettag $0x2  }
0x43: {  	s0 =	rddreg [dreg:$0x0];
	s2 =	stileid.u32  }
0x44: {  	s1 =	rddreg [dreg:$0x1];
	p0 =	sne.s32 s2, $0x0  }
0x45: {  	s3 =	rddreg [dreg:$0x2];
	[bflag:$0x3] =	sbarrier.arrive $0xFFFF;
	s2 =	simm.s32 @!p0 $0x1C01  }
0x46: {  	[timem:s3], [sflag:s2] =	dma.local @!p0 [hbm:s0], s1  }
0x47: {  	s0 =	simm.s32 @!p0 $0x1  }
0x48: {  	_ =	swait.ge @!p0 [sflag:s0], s1  }
0x49: {  	s1 =	ssub.s32 @!p0 $0x0, s1;
	[sflag:s0] =	ssyncset.done @!p0 $0x0  }
0x4a: {  	[sflag:s0] =	ssyncadd.s32 @!p0 s1  }
0x4b: {  	[bflag:$0x3] =	sbarrier.arrive $0xFFFF  }
0x4c: {  	_ =	shalt  }

</sc_bundles>
